<compile_context>
chip_gen: v7x
topology: tpu7x:2x2x1
jax: 0.10.2.dev20260603
libtpu: 0.0.44.dev20260713+nightly
codegen_flags: <defaults>
</compile_context>

<pallas_src>
import jax
import jax.numpy as jnp
from jax import lax
from jax.experimental import pallas as pl
from jax.experimental.pallas import tpu as pltpu
from jax.experimental.pallas import tpu_sc as plsc

N = 10000
E = 320000
D = 128

NC = 2
NS = 16
NW = NC * NS
C = 80
TCH = 125
EPW = TCH * C
EPAD = NW * EPW + 2 * C
NACC = 10016

RPT = 624
REM_BASE = NS * RPT
REM = N - REM_BASE

_mesh = plsc.VectorSubcoreMesh(
    core_axis_name="c", subcore_axis_name="s", num_cores=NC, num_subcores=NS
)


def _tile_rows_copy(s, fn):
    fn(s * RPT, RPT)

    @pl.when(s == NS - 1)
    def _():
        fn(REM_BASE, REM)


def _deg_body(dst_hbm, ones_hbm, zeros_hbm, onesC_hbm, out_hbm,
              id0, id1, id2, id3, ones_v, acc,
              sid0, sid1, sid2, sid3, sem):
    c = lax.axis_index("c")
    s = lax.axis_index("s")
    wid = s * NC + c

    @pl.when(c == 0)
    def _():
        _tile_rows_copy(s, lambda rb, nr: pltpu.sync_copy(
            ones_hbm.at[pl.ds(rb, nr)], acc.at[pl.ds(rb, nr)]))

    @pl.when(c != 0)
    def _():
        _tile_rows_copy(s, lambda rb, nr: pltpu.sync_copy(
            zeros_hbm.at[pl.ds(rb, nr)], acc.at[pl.ds(rb, nr)]))

    pltpu.sync_copy(onesC_hbm, ones_v)
    plsc.subcore_barrier()
    ebase = wid * EPW
    idx_d = (id0, id1, id2, id3)
    semid = (sid0, sid1, sid2, sid3)

    def idx_start(chunk, b):
        pltpu.async_copy(
            dst_hbm.at[pl.ds(ebase + chunk * C, C)], idx_d[b], semid[b])

    def idx_wait(chunk, b):
        pltpu.make_async_copy(
            dst_hbm.at[pl.ds(ebase + chunk * C, C)], idx_d[b], semid[b]).wait()

    def s_start(b):
        pltpu.async_copy(ones_v, acc.at[idx_d[b]], sem, add=True)

    def s_wait(b):
        pltpu.make_async_copy(ones_v, acc.at[idx_d[b]], sem).wait()

    idx_start(0, 0)
    idx_start(1, 1)
    idx_wait(0, 0)
    s_start(0)
    idx_start(2, 2)
    idx_wait(1, 1)
    s_start(1)
    idx_start(3, 3)

    @pl.loop(2, TCH - 3, step=4)
    def _(k):
        for j in range(4):
            b = (2 + j) % 4
            bw = j % 4
            idx_wait(k + j, b)
            s_start(b)
            s_wait(bw)
            idx_start(k + j + 2, bw)

    idx_wait(TCH - 3, 2)
    s_start(2)
    s_wait(0)
    idx_start(TCH - 1, 0)
    idx_wait(TCH - 2, 3)
    s_start(3)
    s_wait(1)
    idx_start(TCH, 1)
    idx_wait(TCH - 1, 0)
    s_start(0)
    s_wait(2)
    idx_start(TCH + 1, 2)
    s_wait(3)
    s_wait(0)
    idx_wait(TCH, 1)
    idx_wait(TCH + 1, 2)

    plsc.subcore_barrier()
    _tile_rows_copy(s, lambda rb, nr: pltpu.async_copy(
        acc.at[pl.ds(rb, nr)], out_hbm.at[c, pl.ds(rb, nr)], sem).wait())


@jax.jit
def _sc_degrees(dst, ones128, zeros128, onesC):
    kern = pl.kernel(
        _deg_body,
        out_type=jax.ShapeDtypeStruct((NC, N, D), jnp.float32),
        mesh=_mesh,
        scratch_types=(
            [pltpu.VMEM((C,), jnp.int32)] * 4
            + [pltpu.VMEM((C, D), jnp.float32),
               pltpu.VMEM_SHARED((NACC, D), jnp.float32)]
            + [pltpu.SemaphoreType.DMA] * 5
        ),
    )
    return kern(dst, ones128, zeros128, onesC)


def _agg_body(g_hbm, src_hbm, dst_hbm, zeros_hbm, out_hbm,
              is0, is1, is2, is3, id0, id1, id2, id3,
              r0, r1, r2, r3, acc,
              sis0, sis1, sis2, sis3, sid0, sid1, sid2, sid3,
              sg0, sg1, sg2, sg3, ssc0, ssc1, ssc2, ssc3, sem):
    c = lax.axis_index("c")
    s = lax.axis_index("s")
    wid = s * NC + c

    @pl.when(c == 0)
    def _():
        _tile_rows_copy(s, lambda rb, nr: pltpu.sync_copy(
            g_hbm.at[pl.ds(rb, nr)], acc.at[pl.ds(rb, nr)]))

    @pl.when(c != 0)
    def _():
        _tile_rows_copy(s, lambda rb, nr: pltpu.sync_copy(
            zeros_hbm.at[pl.ds(rb, nr)], acc.at[pl.ds(rb, nr)]))

    plsc.subcore_barrier()
    ebase = wid * EPW
    idx_s = (is0, is1, is2, is3)
    idx_d = (id0, id1, id2, id3)
    rows = (r0, r1, r2, r3)
    semis = (sis0, sis1, sis2, sis3)
    semid = (sid0, sid1, sid2, sid3)
    semg = (sg0, sg1, sg2, sg3)
    semsc = (ssc0, ssc1, ssc2, ssc3)

    def idx_start(chunk, b):
        base = ebase + chunk * C
        pltpu.async_copy(src_hbm.at[pl.ds(base, C)], idx_s[b], semis[b])
        pltpu.async_copy(dst_hbm.at[pl.ds(base, C)], idx_d[b], semid[b])

    def idx_wait(chunk, b):
        base = ebase + chunk * C
        pltpu.make_async_copy(src_hbm.at[pl.ds(base, C)], idx_s[b], semis[b]).wait()
        pltpu.make_async_copy(dst_hbm.at[pl.ds(base, C)], idx_d[b], semid[b]).wait()

    def g_start(b):
        pltpu.async_copy(g_hbm.at[idx_s[b]], rows[b], semg[b])

    def g_wait(b):
        pltpu.make_async_copy(g_hbm.at[idx_s[b]], rows[b], semg[b]).wait()

    def s_start(b):
        pltpu.async_copy(rows[b], acc.at[idx_d[b]], semsc[b], add=True)

    def s_wait(b):
        pltpu.make_async_copy(rows[b], acc.at[idx_d[b]], semsc[b]).wait()

    idx_start(0, 0)
    idx_start(1, 1)
    idx_start(2, 2)
    idx_start(3, 3)
    idx_wait(0, 0)
    g_start(0)
    idx_wait(1, 1)
    g_start(1)
    g_wait(0)
    s_start(0)
    idx_wait(2, 2)
    g_start(2)
    g_wait(1)
    s_start(1)

    @pl.loop(2, TCH - 3, step=4)
    def _(k):
        for j in range(4):
            c4 = (2 + j) % 4
            idx_wait(k + j + 1, (c4 + 1) % 4)
            g_start((c4 + 1) % 4)
            g_wait(c4)
            s_start(c4)
            s_wait((c4 + 2) % 4)
            idx_start(k + j + 2, (c4 + 2) % 4)

    idx_wait(TCH - 2, 3)
    g_start(3)
    g_wait(2)
    s_start(2)
    s_wait(0)
    idx_start(TCH - 1, 0)
    idx_wait(TCH - 1, 0)
    g_start(0)
    g_wait(3)
    s_start(3)
    s_wait(1)
    idx_start(TCH, 1)
    g_wait(0)
    s_start(0)
    s_wait(2)
    s_wait(3)
    s_wait(0)
    idx_wait(TCH, 1)

    plsc.subcore_barrier()
    _tile_rows_copy(s, lambda rb, nr: pltpu.async_copy(
        acc.at[pl.ds(rb, nr)], out_hbm.at[c, pl.ds(rb, nr)], sem).wait())


@jax.jit
def _sc_aggregate(g, src, dst, zeros128):
    kern = pl.kernel(
        _agg_body,
        out_type=jax.ShapeDtypeStruct((NC, N, D), jnp.float32),
        mesh=_mesh,
        scratch_types=(
            [pltpu.VMEM((C,), jnp.int32)] * 8
            + [pltpu.VMEM((C, D), jnp.float32)] * 4
            + [pltpu.VMEM_SHARED((NACC, D), jnp.float32)]
            + [pltpu.SemaphoreType.DMA] * 17
        ),
    )
    return kern(g, src, dst, zeros128)


BM = 1000
GRID = N // BM


def _mm_body(x_ref, w_ref, o_ref):
    o_ref[...] = jnp.dot(x_ref[...], w_ref[...],
                         preferred_element_type=jnp.float32)


def _scale_body(u_ref, degp_ref, o_ref):
    deg = degp_ref[0, :, 0:1] + degp_ref[1, :, 0:1]
    o_ref[...] = u_ref[...] * lax.rsqrt(deg)


def _comb2_body(sp_ref, degp_ref, b_ref, w_ref, o_ref):
    deg = degp_ref[0, :, 0:1] + degp_ref[1, :, 0:1]
    dis = lax.rsqrt(deg)
    h = jnp.maximum((sp_ref[0] + sp_ref[1]) * dis + b_ref[...], 0.0)
    o_ref[...] = jnp.dot(h, w_ref[...],
                         preferred_element_type=jnp.float32) * dis


def _out_body(sp_ref, degp_ref, b_ref, w_ref, bl_ref, o_ref):
    deg = degp_ref[0, :, 0:1] + degp_ref[1, :, 0:1]
    dis = lax.rsqrt(deg)
    h = (sp_ref[0] + sp_ref[1]) * dis + b_ref[...]
    o_ref[...] = jnp.dot(h, w_ref[...],
                         preferred_element_type=jnp.float32) + bl_ref[...]


_spec_rows = pl.BlockSpec((BM, D), lambda i: (i, 0))
_spec_part = pl.BlockSpec((NC, BM, D), lambda i: (0, i, 0))
_spec_w = pl.BlockSpec((D, D), lambda i: (0, 0))
_spec_b = pl.BlockSpec((1, D), lambda i: (0, 0))
_f32 = jnp.float32


@jax.jit
def _tc_mm(x, w):
    return pl.pallas_call(
        _mm_body, grid=(GRID,),
        in_specs=[_spec_rows, _spec_w], out_specs=_spec_rows,
        out_shape=jax.ShapeDtypeStruct((N, D), _f32),
    )(x, w)


@jax.jit
def _tc_scale(u, degp):
    return pl.pallas_call(
        _scale_body, grid=(GRID,),
        in_specs=[_spec_rows, _spec_part], out_specs=_spec_rows,
        out_shape=jax.ShapeDtypeStruct((N, D), _f32),
    )(u, degp)


@jax.jit
def _tc_comb2(sp, degp, b1, w2):
    return pl.pallas_call(
        _comb2_body, grid=(GRID,),
        in_specs=[_spec_part, _spec_part, _spec_b, _spec_w],
        out_specs=_spec_rows,
        out_shape=jax.ShapeDtypeStruct((N, D), _f32),
    )(sp, degp, b1, w2)


@jax.jit
def _tc_out(sp, degp, b2, wl, bl):
    return pl.pallas_call(
        _out_body, grid=(GRID,),
        in_specs=[_spec_part, _spec_part, _spec_b, _spec_w, _spec_b],
        out_specs=_spec_rows,
        out_shape=jax.ShapeDtypeStruct((N, D), _f32),
    )(sp, degp, b2, wl, bl)


def kernel(x, edge_index, W1, b1, W2, b2, Wl, bl):
    npad = EPAD - E
    src = jnp.concatenate([edge_index[0],
                           jnp.zeros((npad,), edge_index.dtype)])
    dst = jnp.concatenate([edge_index[1],
                           N + (jnp.arange(npad, dtype=edge_index.dtype) % 8)])
    zeros128 = jnp.zeros((N, D), _f32)
    ones128 = jnp.ones((N, D), _f32)
    onesC = jnp.ones((C, D), _f32)
    b1r = b1.reshape(1, D)
    b2r = b2.reshape(1, D)
    blr = bl.reshape(1, D)

    degp = _sc_degrees(dst, ones128, zeros128, onesC)
    u1 = _tc_mm(x, W1)
    g1 = _tc_scale(u1, degp)
    s1 = _sc_aggregate(g1, src, dst, zeros128)
    g2 = _tc_comb2(s1, degp, b1r, W2)
    s2 = _sc_aggregate(g2, src, dst, zeros128)
    return _tc_out(s2, degp, b2r, Wl, blr)

# --- scband reference (transcript-rebuilt; emitter-appended) ---
"""Pipeline reference for scband-permutation-equivariant-encoder-87660282511747 (READ-ONLY COPY).

The authoritative reference and input builder live on the scoring server;
editing this copy changes nothing except your own understanding.
"""

import jax, jax.numpy as jnp
import numpy as np

N, E, D_IN, D_HID, D_OUT = 10000, 320000, 128, 128, 128


def setup_inputs(seed: int = 0) -> dict:
    key = jax.random.key(seed)
    ks = jax.random.split(key, 10)
    x = jax.random.normal(ks[0], (N, D_IN), dtype=jnp.float32)
    edge_index = jax.random.randint(ks[1], (2, E), 0, N, dtype=jnp.int32)
    s1 = 1.0 / np.sqrt(D_IN)
    s2 = 1.0 / np.sqrt(D_HID)
    s3 = 1.0 / np.sqrt(D_OUT)
    W1 = jax.random.normal(ks[2], (D_IN, D_HID), dtype=jnp.float32) * s1
    b1 = jnp.zeros((D_HID,), dtype=jnp.float32)
    W2 = jax.random.normal(ks[3], (D_HID, D_OUT), dtype=jnp.float32) * s2
    b2 = jnp.zeros((D_OUT,), dtype=jnp.float32)
    Wl = jax.random.normal(ks[4], (D_OUT, D_OUT), dtype=jnp.float32) * s3
    bl = jax.random.normal(ks[5], (D_OUT,), dtype=jnp.float32) * s3
    return {"x": x, "edge_index": edge_index, "W1": W1, "b1": b1, "W2": W2, "b2": b2, "Wl": Wl, "bl": bl}


def reference(x, edge_index, W1, b1, W2, b2, Wl, bl):
    n = x.shape[0]
    loop = jnp.arange(n, dtype=edge_index.dtype)
    src = jnp.concatenate([edge_index[0], loop])
    dst = jnp.concatenate([edge_index[1], loop])
    # GCN symmetric normalization with self-loops (gcn_norm)
    deg = jnp.zeros((n,), dtype=x.dtype).at[dst].add(1.0)
    dis = jnp.where(deg > 0, jax.lax.rsqrt(jnp.maximum(deg, 1e-12)), 0.0)
    norm = dis[src] * dis[dst]

    def gcn_conv(h, W, b):
        h = h @ W
        msg = h[src] * norm[:, None]
        out = jnp.zeros_like(h).at[dst].add(msg)
        return out + b

    h = jax.nn.relu(gcn_conv(x, W1, b1))
    h = gcn_conv(h, W2, b2)
    return h @ Wl + bl

if __name__ == "__main__":
    import jax
    _d = setup_inputs()
    print(jax.jit(kernel)(*tuple(_d.values())))

</pallas_src>

<mosaic_0001>
#map = affine_map<(d0, d1) -> (0)>
#map1 = affine_map<(d0, d1) -> (0, 0)>
#map2 = affine_map<(d0, d1) -> (0, 0, 0)>
module attributes {stable_mosaic.version = 14 : i64} {
  func.func @_deg_body(%arg0: i32, %arg1: i32, %arg2: memref<320160xi32, #tpu.memory_space<hbm>>, %arg3: memref<10000x128xf32, #tpu.memory_space<hbm>>, %arg4: memref<10000x128xf32, #tpu.memory_space<hbm>>, %arg5: memref<80x128xf32, #tpu.memory_space<hbm>>, %arg6: memref<2x10000x128xf32, #tpu.memory_space<hbm>>, %arg7: memref<80xi32, #tpu.memory_space<vmem>>, %arg8: memref<80xi32, #tpu.memory_space<vmem>>, %arg9: memref<80xi32, #tpu.memory_space<vmem>>, %arg10: memref<80xi32, #tpu.memory_space<vmem>>, %arg11: memref<80x128xf32, #tpu.memory_space<vmem>>, %arg12: memref<10016x128xf32, #tpu.memory_space<vmem_shared>>, %arg13: memref<!tpu.dma_semaphore, #tpu.memory_space<semaphore_mem>>, %arg14: memref<!tpu.dma_semaphore, #tpu.memory_space<semaphore_mem>>, %arg15: memref<!tpu.dma_semaphore, #tpu.memory_space<semaphore_mem>>, %arg16: memref<!tpu.dma_semaphore, #tpu.memory_space<semaphore_mem>>, %arg17: memref<!tpu.dma_semaphore, #tpu.memory_space<semaphore_mem>>) attributes {dimension_semantics = [#tpu.dimension_semantics<core_parallel>, #tpu.dimension_semantics<subcore_parallel>], iteration_bounds = array<i64: 2, 16>, scalar_prefetch = 0 : i64, scratch_operands = 11 : i64, tpu.core_type = #tpu.core_type<sc_vector_subcore>, window_params = [{transform_indices = #map}, {transform_indices = #map1}, {transform_indices = #map1}, {transform_indices = #map1}, {transform_indices = #map2}]} {
    %mul3A = arith.constant 2 : i32
    %mul3A_0 = arith.muli %arg1, %mul3A : i32
    %add3A = arith.addi %mul3A_0, %arg0 : i32
    %eq3A = arith.constant 0 : i32
    %eq3A_1 = arith.cmpi eq, %arg0, %eq3A : i32
    %convert_element_type3A = arith.extui %eq3A_1 : i1 to i32
    %cond3A = arith.constant 0 : i32
    %cond3A_2 = arith.cmpi ne, %convert_element_type3A, %cond3A : i32
    scf.if %cond3A_2 {
      %mul3A_115 = arith.constant 624 : i32
      %mul3A_116 = arith.muli %arg1, %mul3A_115 : i32
      "tpu.region"() ({
        %run_scoped3A = tpu.sem_alloc : memref<!tpu.dma_semaphore, #tpu.memory_space<semaphore_mem>>
        %dma_start3A_122 = arith.constant 0 : i32
        %dma_start3A_123 = tpu.memref_slice %arg12[%mul3A_116, %dma_start3A_122] : memref<10016x128xf32, #tpu.memory_space<vmem_shared>> -> memref<624x128xf32, #tpu.memory_space<vmem_shared>>
        %dma_start3A_124 = arith.constant 0 : i32
        %dma_start3A_125 = tpu.memref_slice %arg3[%mul3A_116, %dma_start3A_124] : memref<10000x128xf32, #tpu.memory_space<hbm>> -> memref<624x128xf32, #tpu.memory_space<hbm>>
        tpu.enqueue_dma source(%dma_start3A_125 : memref<624x128xf32, #tpu.memory_space<hbm>>) target(%dma_start3A_123 : memref<624x128xf32, #tpu.memory_space<vmem_shared>>) target_semaphore(%run_scoped3A : memref<!tpu.dma_semaphore, #tpu.memory_space<semaphore_mem>>)
        %dma_wait3A_126 = arith.constant 0 : i32
        %dma_wait3A_127 = tpu.memref_slice %arg12[%mul3A_116, %dma_wait3A_126] : memref<10016x128xf32, #tpu.memory_space<vmem_shared>> -> memref<624x128xf32, #tpu.memory_space<vmem_shared>>
        %dma_wait3A_128 = arith.constant 0 : i32
        %dma_wait3A_129 = tpu.memref_slice %arg3[%mul3A_116, %dma_wait3A_128] : memref<10000x128xf32, #tpu.memory_space<hbm>> -> memref<624x128xf32, #tpu.memory_space<hbm>>
        tpu.wait_dma2 semaphore(%run_scoped3A : memref<!tpu.dma_semaphore, #tpu.memory_space<semaphore_mem>>) src(%dma_wait3A_129 : memref<624x128xf32, #tpu.memory_space<hbm>>) dst(%dma_wait3A_127 : memref<624x128xf32, #tpu.memory_space<vmem_shared>>)
        tpu.yield
      }) : () -> ()
      %eq3A_117 = arith.constant 15 : i32
      %eq3A_118 = arith.cmpi eq, %arg1, %eq3A_117 : i32
      %convert_element_type3A_119 = arith.extui %eq3A_118 : i1 to i32
      %cond3A_120 = arith.constant 0 : i32
      %cond3A_121 = arith.cmpi ne, %convert_element_type3A_119, %cond3A_120 : i32
      scf.if %cond3A_121 {
        "tpu.region"() ({
          %run_scoped3A = tpu.sem_alloc : memref<!tpu.dma_semaphore, #tpu.memory_space<semaphore_mem>>
          %dma_start3A_122 = arith.constant 9984 : i32
          %dma_start3A_123 = arith.constant 0 : i32
          %dma_start3A_124 = tpu.memref_slice %arg12[%dma_start3A_122, %dma_start3A_123] : memref<10016x128xf32, #tpu.memory_space<vmem_shared>> -> memref<16x128xf32, #tpu.memory_space<vmem_shared>>
          %dma_start3A_125 = arith.constant 9984 : i32
          %dma_start3A_126 = arith.constant 0 : i32
          %dma_start3A_127 = tpu.memref_slice %arg3[%dma_start3A_125, %dma_start3A_126] : memref<10000x128xf32, #tpu.memory_space<hbm>> -> memref<16x128xf32, #tpu.memory_space<hbm>>
          tpu.enqueue_dma source(%dma_start3A_127 : memref<16x128xf32, #tpu.memory_space<hbm>>) target(%dma_start3A_124 : memref<16x128xf32, #tpu.memory_space<vmem_shared>>) target_semaphore(%run_scoped3A : memref<!tpu.dma_semaphore, #tpu.memory_space<semaphore_mem>>)
          %dma_wait3A_128 = arith.constant 9984 : i32
          %dma_wait3A_129 = arith.constant 0 : i32
          %dma_wait3A_130 = tpu.memref_slice %arg12[%dma_wait3A_128, %dma_wait3A_129] : memref<10016x128xf32, #tpu.memory_space<vmem_shared>> -> memref<16x128xf32, #tpu.memory_space<vmem_shared>>
          %dma_wait3A_131 = arith.constant 9984 : i32
          %dma_wait3A_132 = arith.constant 0 : i32
          %dma_wait3A_133 = tpu.memref_slice %arg3[%dma_wait3A_131, %dma_wait3A_132] : memref<10000x128xf32, #tpu.memory_space<hbm>> -> memref<16x128xf32, #tpu.memory_space<hbm>>
          tpu.wait_dma2 semaphore(%run_scoped3A : memref<!tpu.dma_semaphore, #tpu.memory_space<semaphore_mem>>) src(%dma_wait3A_133 : memref<16x128xf32, #tpu.memory_space<hbm>>) dst(%dma_wait3A_130 : memref<16x128xf32, #tpu.memory_space<vmem_shared>>)
          tpu.yield
        }) : () -> ()
      } else {
      }
    } else {
    }
    %ne3A = arith.constant 0 : i32
    %ne3A_3 = arith.cmpi ne, %arg0, %ne3A : i32
    %convert_element_type3A_4 = arith.extui %ne3A_3 : i1 to i32
    %cond3A_5 = arith.constant 0 : i32
    %cond3A_6 = arith.cmpi ne, %convert_element_type3A_4, %cond3A_5 : i32
    scf.if %cond3A_6 {
      %mul3A_115 = arith.constant 624 : i32
      %mul3A_116 = arith.muli %arg1, %mul3A_115 : i32
      "tpu.region"() ({
        %run_scoped3A = tpu.sem_alloc : memref<!tpu.dma_semaphore, #tpu.memory_space<semaphore_mem>>
        %dma_start3A_122 = arith.constant 0 : i32
        %dma_start3A_123 = tpu.memref_slice %arg12[%mul3A_116, %dma_start3A_122] : memref<10016x128xf32, #tpu.memory_space<vmem_shared>> -> memref<624x128xf32, #tpu.memory_space<vmem_shared>>
        %dma_start3A_124 = arith.constant 0 : i32
        %dma_start3A_125 = tpu.memref_slice %arg4[%mul3A_116, %dma_start3A_124] : memref<10000x128xf32, #tpu.memory_space<hbm>> -> memref<624x128xf32, #tpu.memory_space<hbm>>
        tpu.enqueue_dma source(%dma_start3A_125 : memref<624x128xf32, #tpu.memory_space<hbm>>) target(%dma_start3A_123 : memref<624x128xf32, #tpu.memory_space<vmem_shared>>) target_semaphore(%run_scoped3A : memref<!tpu.dma_semaphore, #tpu.memory_space<semaphore_mem>>)
        %dma_wait3A_126 = arith.constant 0 : i32
        %dma_wait3A_127 = tpu.memref_slice %arg12[%mul3A_116, %dma_wait3A_126] : memref<10016x128xf32, #tpu.memory_space<vmem_shared>> -> memref<624x128xf32, #tpu.memory_space<vmem_shared>>
        %dma_wait3A_128 = arith.constant 0 : i32
        %dma_wait3A_129 = tpu.memref_slice %arg4[%mul3A_116, %dma_wait3A_128] : memref<10000x128xf32, #tpu.memory_space<hbm>> -> memref<624x128xf32, #tpu.memory_space<hbm>>
        tpu.wait_dma2 semaphore(%run_scoped3A : memref<!tpu.dma_semaphore, #tpu.memory_space<semaphore_mem>>) src(%dma_wait3A_129 : memref<624x128xf32, #tpu.memory_space<hbm>>) dst(%dma_wait3A_127 : memref<624x128xf32, #tpu.memory_space<vmem_shared>>)
        tpu.yield
      }) : () -> ()
      %eq3A_117 = arith.constant 15 : i32
      %eq3A_118 = arith.cmpi eq, %arg1, %eq3A_117 : i32
      %convert_element_type3A_119 = arith.extui %eq3A_118 : i1 to i32
      %cond3A_120 = arith.constant 0 : i32
      %cond3A_121 = arith.cmpi ne, %convert_element_type3A_119, %cond3A_120 : i32
      scf.if %cond3A_121 {
        "tpu.region"() ({
          %run_scoped3A = tpu.sem_alloc : memref<!tpu.dma_semaphore, #tpu.memory_space<semaphore_mem>>
          %dma_start3A_122 = arith.constant 9984 : i32
          %dma_start3A_123 = arith.constant 0 : i32
          %dma_start3A_124 = tpu.memref_slice %arg12[%dma_start3A_122, %dma_start3A_123] : memref<10016x128xf32, #tpu.memory_space<vmem_shared>> -> memref<16x128xf32, #tpu.memory_space<vmem_shared>>
          %dma_start3A_125 = arith.constant 9984 : i32
          %dma_start3A_126 = arith.constant 0 : i32
          %dma_start3A_127 = tpu.memref_slice %arg4[%dma_start3A_125, %dma_start3A_126] : memref<10000x128xf32, #tpu.memory_space<hbm>> -> memref<16x128xf32, #tpu.memory_space<hbm>>
          tpu.enqueue_dma source(%dma_start3A_127 : memref<16x128xf32, #tpu.memory_space<hbm>>) target(%dma_start3A_124 : memref<16x128xf32, #tpu.memory_space<vmem_shared>>) target_semaphore(%run_scoped3A : memref<!tpu.dma_semaphore, #tpu.memory_space<semaphore_mem>>)
          %dma_wait3A_128 = arith.constant 9984 : i32
          %dma_wait3A_129 = arith.constant 0 : i32
          %dma_wait3A_130 = tpu.memref_slice %arg12[%dma_wait3A_128, %dma_wait3A_129] : memref<10016x128xf32, #tpu.memory_space<vmem_shared>> -> memref<16x128xf32, #tpu.memory_space<vmem_shared>>
          %dma_wait3A_131 = arith.constant 9984 : i32
          %dma_wait3A_132 = arith.constant 0 : i32
          %dma_wait3A_133 = tpu.memref_slice %arg4[%dma_wait3A_131, %dma_wait3A_132] : memref<10000x128xf32, #tpu.memory_space<hbm>> -> memref<16x128xf32, #tpu.memory_space<hbm>>
          tpu.wait_dma2 semaphore(%run_scoped3A : memref<!tpu.dma_semaphore, #tpu.memory_space<semaphore_mem>>) src(%dma_wait3A_133 : memref<16x128xf32, #tpu.memory_space<hbm>>) dst(%dma_wait3A_130 : memref<16x128xf32, #tpu.memory_space<vmem_shared>>)
          tpu.yield
        }) : () -> ()
      } else {
      }
    } else {
    }
    "tpu.region"() ({
      %run_scoped3A = tpu.sem_alloc : memref<!tpu.dma_semaphore, #tpu.memory_space<semaphore_mem>>
      tpu.enqueue_dma source(%arg5 : memref<80x128xf32, #tpu.memory_space<hbm>>) target(%arg11 : memref<80x128xf32, #tpu.memory_space<vmem>>) target_semaphore(%run_scoped3A : memref<!tpu.dma_semaphore, #tpu.memory_space<semaphore_mem>>)
      tpu.wait_dma2 semaphore(%run_scoped3A : memref<!tpu.dma_semaphore, #tpu.memory_space<semaphore_mem>>) src(%arg5 : memref<80x128xf32, #tpu.memory_space<hbm>>) dst(%arg11 : memref<80x128xf32, #tpu.memory_space<vmem>>)
      tpu.yield
    }) : () -> ()
    %barrier3A = arith.constant 0 : index
    tpu.barrier barrier_id(%barrier3A)
    %mul3A_7 = arith.constant 10000 : i32
    %mul3A_8 = arith.muli %add3A, %mul3A_7 : i32
    %add3A_9 = arith.constant 0 : i32
    %add3A_10 = arith.addi %mul3A_8, %add3A_9 : i32
    %dma_start3A = tpu.memref_slice %arg2[%add3A_10] : memref<320160xi32, #tpu.memory_space<hbm>> -> memref<80xi32, #tpu.memory_space<hbm>>
    %dma_start3A_11 = tpu.memref_slice %arg2[%add3A_10] : memref<320160xi32, #tpu.memory_space<hbm>> -> memref<80xi32, #tpu.memory_space<hbm>>
    tpu.enqueue_dma source(%dma_start3A_11 : memref<80xi32, #tpu.memory_space<hbm>>) target(%arg7 : memref<80xi32, #tpu.memory_space<vmem>>) target_semaphore(%arg13 : memref<!tpu.dma_semaphore, #tpu.memory_space<semaphore_mem>>)
    %add3A_12 = arith.constant 80 : i32
    %add3A_13 = arith.addi %mul3A_8, %add3A_12 : i32
    %dma_start3A_14 = tpu.memref_slice %arg2[%add3A_13] : memref<320160xi32, #tpu.memory_space<hbm>> -> memref<80xi32, #tpu.memory_space<hbm>>
    %dma_start3A_15 = tpu.memref_slice %arg2[%add3A_13] : memref<320160xi32, #tpu.memory_space<hbm>> -> memref<80xi32, #tpu.memory_space<hbm>>
    tpu.enqueue_dma source(%dma_start3A_15 : memref<80xi32, #tpu.memory_space<hbm>>) target(%arg8 : memref<80xi32, #tpu.memory_space<vmem>>) target_semaphore(%arg14 : memref<!tpu.dma_semaphore, #tpu.memory_space<semaphore_mem>>)
    %add3A_16 = arith.constant 0 : i32
    %add3A_17 = arith.addi %mul3A_8, %add3A_16 : i32
    %dma_wait3A = tpu.memref_slice %arg2[%add3A_17] : memref<320160xi32, #tpu.memory_space<hbm>> -> memref<80xi32, #tpu.memory_space<hbm>>
    %dma_wait3A_18 = tpu.memref_slice %arg2[%add3A_17] : memref<320160xi32, #tpu.memory_space<hbm>> -> memref<80xi32, #tpu.memory_space<hbm>>
    tpu.wait_dma2 semaphore(%arg13 : memref<!tpu.dma_semaphore, #tpu.memory_space<semaphore_mem>>) src(%dma_wait3A_18 : memref<80xi32, #tpu.memory_space<hbm>>) dst(%arg7 : memref<80xi32, #tpu.memory_space<vmem>>)
    %dma_start3A_19 = arith.constant 0 : i32
    %dma_start3A_20 = arith.constant 0 : i32
    %dma_start3A_21 = tpu.memref_slice %arg12[%dma_start3A_19, %dma_start3A_20] : memref<10016x128xf32, #tpu.memory_space<vmem_shared>> -> memref<10016x128xf32, #tpu.memory_space<vmem_shared>>
    tpu.enqueue_indirect_dma source(%arg11 : memref<80x128xf32, #tpu.memory_space<vmem>>) target(%dma_start3A_21 : memref<10016x128xf32, #tpu.memory_space<vmem_shared>>) offsets(%arg7 : memref<80xi32, #tpu.memory_space<vmem>>) semaphore(%arg17 : memref<!tpu.dma_semaphore, #tpu.memory_space<semaphore_mem>>) {add = true}
    %add3A_22 = arith.constant 160 : i32
    %add3A_23 = arith.addi %mul3A_8, %add3A_22 : i32
    %dma_start3A_24 = tpu.memref_slice %arg2[%add3A_23] : memref<320160xi32, #tpu.memory_space<hbm>> -> memref<80xi32, #tpu.memory_space<hbm>>
    %dma_start3A_25 = tpu.memref_slice %arg2[%add3A_23] : memref<320160xi32, #tpu.memory_space<hbm>> -> memref<80xi32, #tpu.memory_space<hbm>>
    tpu.enqueue_dma source(%dma_start3A_25 : memref<80xi32, #tpu.memory_space<hbm>>) target(%arg9 : memref<80xi32, #tpu.memory_space<vmem>>) target_semaphore(%arg15 : memref<!tpu.dma_semaphore, #tpu.memory_space<semaphore_mem>>)
    %add3A_26 = arith.constant 80 : i32
    %add3A_27 = arith.addi %mul3A_8, %add3A_26 : i32
    %dma_wait3A_28 = tpu.memref_slice %arg2[%add3A_27] : memref<320160xi32, #tpu.memory_space<hbm>> -> memref<80xi32, #tpu.memory_space<hbm>>
    %dma_wait3A_29 = tpu.memref_slice %arg2[%add3A_27] : memref<320160xi32, #tpu.memory_space<hbm>> -> memref<80xi32, #tpu.memory_space<hbm>>
    tpu.wait_dma2 semaphore(%arg14 : memref<!tpu.dma_semaphore, #tpu.memory_space<semaphore_mem>>) src(%dma_wait3A_29 : memref<80xi32, #tpu.memory_space<hbm>>) dst(%arg8 : memref<80xi32, #tpu.memory_space<vmem>>)
    %dma_start3A_30 = arith.constant 0 : i32
    %dma_start3A_31 = arith.constant 0 : i32
    %dma_start3A_32 = tpu.memref_slice %arg12[%dma_start3A_30, %dma_start3A_31] : memref<10016x128xf32, #tpu.memory_space<vmem_shared>> -> memref<10016x128xf32, #tpu.memory_space<vmem_shared>>
    tpu.enqueue_indirect_dma source(%arg11 : memref<80x128xf32, #tpu.memory_space<vmem>>) target(%dma_start3A_32 : memref<10016x128xf32, #tpu.memory_space<vmem_shared>>) offsets(%arg8 : memref<80xi32, #tpu.memory_space<vmem>>) semaphore(%arg17 : memref<!tpu.dma_semaphore, #tpu.memory_space<semaphore_mem>>) {add = true}
    %add3A_33 = arith.constant 240 : i32
    %add3A_34 = arith.addi %mul3A_8, %add3A_33 : i32
    %dma_start3A_35 = tpu.memref_slice %arg2[%add3A_34] : memref<320160xi32, #tpu.memory_space<hbm>> -> memref<80xi32, #tpu.memory_space<hbm>>
    %dma_start3A_36 = tpu.memref_slice %arg2[%add3A_34] : memref<320160xi32, #tpu.memory_space<hbm>> -> memref<80xi32, #tpu.memory_space<hbm>>
    tpu.enqueue_dma source(%dma_start3A_36 : memref<80xi32, #tpu.memory_space<hbm>>) target(%arg10 : memref<80xi32, #tpu.memory_space<vmem>>) target_semaphore(%arg16 : memref<!tpu.dma_semaphore, #tpu.memory_space<semaphore_mem>>)
    %scan3A = arith.constant 0 : i32
    %scan3A_37 = arith.constant 30 : i32
    %scan3A_38 = arith.addi %scan3A, %scan3A_37 : i32
    %scan3A_39 = arith.constant 1 : i32
    scf.for %scan3A_115 = %scan3A to %scan3A_38 step %scan3A_39  : i32 {
      %mul3A_116 = arith.constant 4 : i32
      %mul3A_117 = arith.muli %scan3A_115, %mul3A_116 : i32
      %add3A_118 = arith.constant 2 : i32
      %add3A_119 = arith.addi %add3A_118, %mul3A_117 : i32
      %add3A_120 = arith.constant 0 : i32
      %add3A_121 = arith.addi %add3A_119, %add3A_120 : i32
      %mul3A_122 = arith.constant 80 : i32
      %mul3A_123 = arith.muli %add3A_121, %mul3A_122 : i32
      %add3A_124 = arith.addi %mul3A_8, %mul3A_123 : i32
      %dma_wait3A_125 = tpu.memref_slice %arg2[%add3A_124] : memref<320160xi32, #tpu.memory_space<hbm>> -> memref<80xi32, #tpu.memory_space<hbm>>
      %dma_wait3A_126 = tpu.memref_slice %arg2[%add3A_124] : memref<320160xi32, #tpu.memory_space<hbm>> -> memref<80xi32, #tpu.memory_space<hbm>>
      tpu.wait_dma2 semaphore(%arg15 : memref<!tpu.dma_semaphore, #tpu.memory_space<semaphore_mem>>) src(%dma_wait3A_126 : memref<80xi32, #tpu.memory_space<hbm>>) dst(%arg9 : memref<80xi32, #tpu.memory_space<vmem>>)
      %dma_start3A_127 = arith.constant 0 : i32
      %dma_start3A_128 = arith.constant 0 : i32
      %dma_start3A_129 = tpu.memref_slice %arg12[%dma_start3A_127, %dma_start3A_128] : memref<10016x128xf32, #tpu.memory_space<vmem_shared>> -> memref<10016x128xf32, #tpu.memory_space<vmem_shared>>
      tpu.enqueue_indirect_dma source(%arg11 : memref<80x128xf32, #tpu.memory_space<vmem>>) target(%dma_start3A_129 : memref<10016x128xf32, #tpu.memory_space<vmem_shared>>) offsets(%arg9 : memref<80xi32, #tpu.memory_space<vmem>>) semaphore(%arg17 : memref<!tpu.dma_semaphore, #tpu.memory_space<semaphore_mem>>) {add = true}
      %dma_wait3A_130 = arith.constant 0 : i32
      %dma_wait3A_131 = arith.constant 0 : i32
      %dma_wait3A_132 = tpu.memref_slice %arg12[%dma_wait3A_130, %dma_wait3A_131] : memref<10016x128xf32, #tpu.memory_space<vmem_shared>> -> memref<10016x128xf32, #tpu.memory_space<vmem_shared>>
      tpu.wait_indirect_dma semaphore(%arg17 : memref<!tpu.dma_semaphore, #tpu.memory_space<semaphore_mem>>) src(%arg11 : memref<80x128xf32, #tpu.memory_space<vmem>>) dst(%dma_wait3A_132 : memref<10016x128xf32, #tpu.memory_space<vmem_shared>>)
      %add3A_133 = arith.constant 0 : i32
      %add3A_134 = arith.addi %add3A_119, %add3A_133 : i32
      %add3A_135 = arith.constant 2 : i32
      %add3A_136 = arith.addi %add3A_134, %add3A_135 : i32
      %mul3A_137 = arith.constant 80 : i32
      %mul3A_138 = arith.muli %add3A_136, %mul3A_137 : i32
      %add3A_139 = arith.addi %mul3A_8, %mul3A_138 : i32
      %dma_start3A_140 = tpu.memref_slice %arg2[%add3A_139] : memref<320160xi32, #tpu.memory_space<hbm>> -> memref<80xi32, #tpu.memory_space<hbm>>
      %dma_start3A_141 = tpu.memref_slice %arg2[%add3A_139] : memref<320160xi32, #tpu.memory_space<hbm>> -> memref<80xi32, #tpu.memory_space<hbm>>
      tpu.enqueue_dma source(%dma_start3A_141 : memref<80xi32, #tpu.memory_space<hbm>>) target(%arg7 : memref<80xi32, #tpu.memory_space<vmem>>) target_semaphore(%arg13 : memref<!tpu.dma_semaphore, #tpu.memory_space<semaphore_mem>>)
      %add3A_142 = arith.constant 1 : i32
      %add3A_143 = arith.addi %add3A_119, %add3A_142 : i32
      %mul3A_144 = arith.constant 80 : i32
      %mul3A_145 = arith.muli %add3A_143, %mul3A_144 : i32
      %add3A_146 = arith.addi %mul3A_8, %mul3A_145 : i32
      %dma_wait3A_147 = tpu.memref_slice %arg2[%add3A_146] : memref<320160xi32, #tpu.memory_space<hbm>> -> memref<80xi32, #tpu.memory_space<hbm>>
      %dma_wait3A_148 = tpu.memref_slice %arg2[%add3A_146] : memref<320160xi32, #tpu.memory_space<hbm>> -> memref<80xi32, #tpu.memory_space<hbm>>
      tpu.wait_dma2 semaphore(%arg16 : memref<!tpu.dma_semaphore, #tpu.memory_space<semaphore_mem>>) src(%dma_wait3A_148 : memref<80xi32, #tpu.memory_space<hbm>>) dst(%arg10 : memref<80xi32, #tpu.memory_space<vmem>>)
      %dma_start3A_149 = arith.constant 0 : i32
      %dma_start3A_150 = arith.constant 0 : i32
      %dma_start3A_151 = tpu.memref_slice %arg12[%dma_start3A_149, %dma_start3A_150] : memref<10016x128xf32, #tpu.memory_space<vmem_shared>> -> memref<10016x128xf32, #tpu.memory_space<vmem_shared>>
      tpu.enqueue_indirect_dma source(%arg11 : memref<80x128xf32, #tpu.memory_space<vmem>>) target(%dma_start3A_151 : memref<10016x128xf32, #tpu.memory_space<vmem_shared>>) offsets(%arg10 : memref<80xi32, #tpu.memory_space<vmem>>) semaphore(%arg17 : memref<!tpu.dma_semaphore, #tpu.memory_space<semaphore_mem>>) {add = true}
      %dma_wait3A_152 = arith.constant 0 : i32
      %dma_wait3A_153 = arith.constant 0 : i32
      %dma_wait3A_154 = tpu.memref_slice %arg12[%dma_wait3A_152, %dma_wait3A_153] : memref<10016x128xf32, #tpu.memory_space<vmem_shared>> -> memref<10016x128xf32, #tpu.memory_space<vmem_shared>>
      tpu.wait_indirect_dma semaphore(%arg17 : memref<!tpu.dma_semaphore, #tpu.memory_space<semaphore_mem>>) src(%arg11 : memref<80x128xf32, #tpu.memory_space<vmem>>) dst(%dma_wait3A_154 : memref<10016x128xf32, #tpu.memory_space<vmem_shared>>)
      %add3A_155 = arith.constant 1 : i32
      %add3A_156 = arith.addi %add3A_119, %add3A_155 : i32
      %add3A_157 = arith.constant 2 : i32
      %add3A_158 = arith.addi %add3A_156, %add3A_157 : i32
      %mul3A_159 = arith.constant 80 : i32
      %mul3A_160 = arith.muli %add3A_158, %mul3A_159 : i32
      %add3A_161 = arith.addi %mul3A_8, %mul3A_160 : i32
      %dma_start3A_162 = tpu.memref_slice %arg2[%add3A_161] : memref<320160xi32, #tpu.memory_space<hbm>> -> memref<80xi32, #tpu.memory_space<hbm>>
      %dma_start3A_163 = tpu.memref_slice %arg2[%add3A_161] : memref<320160xi32, #tpu.memory_space<hbm>> -> memref<80xi32, #tpu.memory_space<hbm>>
      tpu.enqueue_dma source(%dma_start3A_163 : memref<80xi32, #tpu.memory_space<hbm>>) target(%arg8 : memref<80xi32, #tpu.memory_space<vmem>>) target_semaphore(%arg14 : memref<!tpu.dma_semaphore, #tpu.memory_space<semaphore_mem>>)
      %add3A_164 = arith.constant 2 : i32
      %add3A_165 = arith.addi %add3A_119, %add3A_164 : i32
      %mul3A_166 = arith.constant 80 : i32
      %mul3A_167 = arith.muli %add3A_165, %mul3A_166 : i32
      %add3A_168 = arith.addi %mul3A_8, %mul3A_167 : i32
      %dma_wait3A_169 = tpu.memref_slice %arg2[%add3A_168] : memref<320160xi32, #tpu.memory_space<hbm>> -> memref<80xi32, #tpu.memory_space<hbm>>
      %dma_wait3A_170 = tpu.memref_slice %arg2[%add3A_168] : memref<320160xi32, #tpu.memory_space<hbm>> -> memref<80xi32, #tpu.memory_space<hbm>>
      tpu.wait_dma2 semaphore(%arg13 : memref<!tpu.dma_semaphore, #tpu.memory_space<semaphore_mem>>) src(%dma_wait3A_170 : memref<80xi32, #tpu.memory_space<hbm>>) dst(%arg7 : memref<80xi32, #tpu.memory_space<vmem>>)
      %dma_start3A_171 = arith.constant 0 : i32
      %dma_start3A_172 = arith.constant 0 : i32
      %dma_start3A_173 = tpu.memref_slice %arg12[%dma_start3A_171, %dma_start3A_172] : memref<10016x128xf32, #tpu.memory_space<vmem_shared>> -> memref<10016x128xf32, #tpu.memory_space<vmem_shared>>
      tpu.enqueue_indirect_dma source(%arg11 : memref<80x128xf32, #tpu.memory_space<vmem>>) target(%dma_start3A_173 : memref<10016x128xf32, #tpu.memory_space<vmem_shared>>) offsets(%arg7 : memref<80xi32, #tpu.memory_space<vmem>>) semaphore(%arg17 : memref<!tpu.dma_semaphore, #tpu.memory_space<semaphore_mem>>) {add = true}
      %dma_wait3A_174 = arith.constant 0 : i32
      %dma_wait3A_175 = arith.constant 0 : i32
      %dma_wait3A_176 = tpu.memref_slice %arg12[%dma_wait3A_174, %dma_wait3A_175] : memref<10016x128xf32, #tpu.memory_space<vmem_shared>> -> memref<10016x128xf32, #tpu.memory_space<vmem_shared>>
      tpu.wait_indirect_dma semaphore(%arg17 : memref<!tpu.dma_semaphore, #tpu.memory_space<semaphore_mem>>) src(%arg11 : memref<80x128xf32, #tpu.memory_space<vmem>>) dst(%dma_wait3A_176 : memref<10016x128xf32, #tpu.memory_space<vmem_shared>>)
      %add3A_177 = arith.constant 2 : i32
      %add3A_178 = arith.addi %add3A_119, %add3A_177 : i32
      %add3A_179 = arith.constant 2 : i32
      %add3A_180 = arith.addi %add3A_178, %add3A_179 : i32
      %mul3A_181 = arith.constant 80 : i32
      %mul3A_182 = arith.muli %add3A_180, %mul3A_181 : i32
      %add3A_183 = arith.addi %mul3A_8, %mul3A_182 : i32
      %dma_start3A_184 = tpu.memref_slice %arg2[%add3A_183] : memref<320160xi32, #tpu.memory_space<hbm>> -> memref<80xi32, #tpu.memory_space<hbm>>
      %dma_start3A_185 = tpu.memref_slice %arg2[%add3A_183] : memref<320160xi32, #tpu.memory_space<hbm>> -> memref<80xi32, #tpu.memory_space<hbm>>
      tpu.enqueue_dma source(%dma_start3A_185 : memref<80xi32, #tpu.memory_space<hbm>>) target(%arg9 : memref<80xi32, #tpu.memory_space<vmem>>) target_semaphore(%arg15 : memref<!tpu.dma_semaphore, #tpu.memory_space<semaphore_mem>>)
      %add3A_186 = arith.constant 3 : i32
      %add3A_187 = arith.addi %add3A_119, %add3A_186 : i32
      %mul3A_188 = arith.constant 80 : i32
      %mul3A_189 = arith.muli %add3A_187, %mul3A_188 : i32
      %add3A_190 = arith.addi %mul3A_8, %mul3A_189 : i32
      %dma_wait3A_191 = tpu.memref_slice %arg2[%add3A_190] : memref<320160xi32, #tpu.memory_space<hbm>> -> memref<80xi32, #tpu.memory_space<hbm>>
      %dma_wait3A_192 = tpu.memref_slice %arg2[%add3A_190] : memref<320160xi32, #tpu.memory_space<hbm>> -> memref<80xi32, #tpu.memory_space<hbm>>
      tpu.wait_dma2 semaphore(%arg14 : memref<!tpu.dma_semaphore, #tpu.memory_space<semaphore_mem>>) src(%dma_wait3A_192 : memref<80xi32, #tpu.memory_space<hbm>>) dst(%arg8 : memref<80xi32, #tpu.memory_space<vmem>>)
      %dma_start3A_193 = arith.constant 0 : i32
      %dma_start3A_194 = arith.constant 0 : i32
      %dma_start3A_195 = tpu.memref_slice %arg12[%dma_start3A_193, %dma_start3A_194] : memref<10016x128xf32, #tpu.memory_space<vmem_shared>> -> memref<10016x128xf32, #tpu.memory_space<vmem_shared>>
      tpu.enqueue_indirect_dma source(%arg11 : memref<80x128xf32, #tpu.memory_space<vmem>>) target(%dma_start3A_195 : memref<10016x128xf32, #tpu.memory_space<vmem_shared>>) offsets(%arg8 : memref<80xi32, #tpu.memory_space<vmem>>) semaphore(%arg17 : memref<!tpu.dma_semaphore, #tpu.memory_space<semaphore_mem>>) {add = true}
      %dma_wait3A_196 = arith.constant 0 : i32
      %dma_wait3A_197 = arith.constant 0 : i32
      %dma_wait3A_198 = tpu.memref_slice %arg12[%dma_wait3A_196, %dma_wait3A_197] : memref<10016x128xf32, #tpu.memory_space<vmem_shared>> -> memref<10016x128xf32, #tpu.memory_space<vmem_shared>>
      tpu.wait_indirect_dma semaphore(%arg17 : memref<!tpu.dma_semaphore, #tpu.memory_space<semaphore_mem>>) src(%arg11 : memref<80x128xf32, #tpu.memory_space<vmem>>) dst(%dma_wait3A_198 : memref<10016x128xf32, #tpu.memory_space<vmem_shared>>)
      %add3A_199 = arith.constant 3 : i32
      %add3A_200 = arith.addi %add3A_119, %add3A_199 : i32
      %add3A_201 = arith.constant 2 : i32
      %add3A_202 = arith.addi %add3A_200, %add3A_201 : i32
      %mul3A_203 = arith.constant 80 : i32
      %mul3A_204 = arith.muli %add3A_202, %mul3A_203 : i32
      %add3A_205 = arith.addi %mul3A_8, %mul3A_204 : i32
      %dma_start3A_206 = tpu.memref_slice %arg2[%add3A_205] : memref<320160xi32, #tpu.memory_space<hbm>> -> memref<80xi32, #tpu.memory_space<hbm>>
      %dma_start3A_207 = tpu.memref_slice %arg2[%add3A_205] : memref<320160xi32, #tpu.memory_space<hbm>> -> memref<80xi32, #tpu.memory_space<hbm>>
      tpu.enqueue_dma source(%dma_start3A_207 : memref<80xi32, #tpu.memory_space<hbm>>) target(%arg10 : memref<80xi32, #tpu.memory_space<vmem>>) target_semaphore(%arg16 : memref<!tpu.dma_semaphore, #tpu.memory_space<semaphore_mem>>)
    }
    %scan3A_40 = arith.constant 30 : i32
    %add3A_41 = arith.constant 9760 : i32
    %add3A_42 = arith.addi %mul3A_8, %add3A_41 : i32
    %dma_wait3A_43 = tpu.memref_slice %arg2[%add3A_42] : memref<320160xi32, #tpu.memory_space<hbm>> -> memref<80xi32, #tpu.memory_space<hbm>>
    %dma_wait3A_44 = tpu.memref_slice %arg2[%add3A_42] : memref<320160xi32, #tpu.memory_space<hbm>> -> memref<80xi32, #tpu.memory_space<hbm>>
    tpu.wait_dma2 semaphore(%arg15 : memref<!tpu.dma_semaphore, #tpu.memory_space<semaphore_mem>>) src(%dma_wait3A_44 : memref<80xi32, #tpu.memory_space<hbm>>) dst(%arg9 : memref<80xi32, #tpu.memory_space<vmem>>)
    %dma_start3A_45 = arith.constant 0 : i32
    %dma_start3A_46 = arith.constant 0 : i32
    %dma_start3A_47 = tpu.memref_slice %arg12[%dma_start3A_45, %dma_start3A_46] : memref<10016x128xf32, #tpu.memory_space<vmem_shared>> -> memref<10016x128xf32, #tpu.memory_space<vmem_shared>>
    tpu.enqueue_indirect_dma source(%arg11 : memref<80x128xf32, #tpu.memory_space<vmem>>) target(%dma_start3A_47 : memref<10016x128xf32, #tpu.memory_space<vmem_shared>>) offsets(%arg9 : memref<80xi32, #tpu.memory_space<vmem>>) semaphore(%arg17 : memref<!tpu.dma_semaphore, #tpu.memory_space<semaphore_mem>>) {add = true}
    %dma_wait3A_48 = arith.constant 0 : i32
    %dma_wait3A_49 = arith.constant 0 : i32
    %dma_wait3A_50 = tpu.memref_slice %arg12[%dma_wait3A_48, %dma_wait3A_49] : memref<10016x128xf32, #tpu.memory_space<vmem_shared>> -> memref<10016x128xf32, #tpu.memory_space<vmem_shared>>
    tpu.wait_indirect_dma semaphore(%arg17 : memref<!tpu.dma_semaphore, #tpu.memory_space<semaphore_mem>>) src(%arg11 : memref<80x128xf32, #tpu.memory_space<vmem>>) dst(%dma_wait3A_50 : memref<10016x128xf32, #tpu.memory_space<vmem_shared>>)
    %add3A_51 = arith.constant 9920 : i32
    %add3A_52 = arith.addi %mul3A_8, %add3A_51 : i32
    %dma_start3A_53 = tpu.memref_slice %arg2[%add3A_52] : memref<320160xi32, #tpu.memory_space<hbm>> -> memref<80xi32, #tpu.memory_space<hbm>>
    %dma_start3A_54 = tpu.memref_slice %arg2[%add3A_52] : memref<320160xi32, #tpu.memory_space<hbm>> -> memref<80xi32, #tpu.memory_space<hbm>>
    tpu.enqueue_dma source(%dma_start3A_54 : memref<80xi32, #tpu.memory_space<hbm>>) target(%arg7 : memref<80xi32, #tpu.memory_space<vmem>>) target_semaphore(%arg13 : memref<!tpu.dma_semaphore, #tpu.memory_space<semaphore_mem>>)
    %add3A_55 = arith.constant 9840 : i32
    %add3A_56 = arith.addi %mul3A_8, %add3A_55 : i32
    %dma_wait3A_57 = tpu.memref_slice %arg2[%add3A_56] : memref<320160xi32, #tpu.memory_space<hbm>> -> memref<80xi32, #tpu.memory_space<hbm>>
    %dma_wait3A_58 = tpu.memref_slice %arg2[%add3A_56] : memref<320160xi32, #tpu.memory_space<hbm>> -> memref<80xi32, #tpu.memory_space<hbm>>
    tpu.wait_dma2 semaphore(%arg16 : memref<!tpu.dma_semaphore, #tpu.memory_space<semaphore_mem>>) src(%dma_wait3A_58 : memref<80xi32, #tpu.memory_space<hbm>>) dst(%arg10 : memref<80xi32, #tpu.memory_space<vmem>>)
    %dma_start3A_59 = arith.constant 0 : i32
    %dma_start3A_60 = arith.constant 0 : i32
    %dma_start3A_61 = tpu.memref_slice %arg12[%dma_start3A_59, %dma_start3A_60] : memref<10016x128xf32, #tpu.memory_space<vmem_shared>> -> memref<10016x128xf32, #tpu.memory_space<vmem_shared>>
    tpu.enqueue_indirect_dma source(%arg11 : memref<80x128xf32, #tpu.memory_space<vmem>>) target(%dma_start3A_61 : memref<10016x128xf32, #tpu.memory_space<vmem_shared>>) offsets(%arg10 : memref<80xi32, #tpu.memory_space<vmem>>) semaphore(%arg17 : memref<!tpu.dma_semaphore, #tpu.memory_space<semaphore_mem>>) {add = true}
    %dma_wait3A_62 = arith.constant 0 : i32
    %dma_wait3A_63 = arith.constant 0 : i32
    %dma_wait3A_64 = tpu.memref_slice %arg12[%dma_wait3A_62, %dma_wait3A_63] : memref<10016x128xf32, #tpu.memory_space<vmem_shared>> -> memref<10016x128xf32, #tpu.memory_space<vmem_shared>>
    tpu.wait_indirect_dma semaphore(%arg17 : memref<!tpu.dma_semaphore, #tpu.memory_space<semaphore_mem>>) src(%arg11 : memref<80x128xf32, #tpu.memory_space<vmem>>) dst(%dma_wait3A_64 : memref<10016x128xf32, #tpu.memory_space<vmem_shared>>)
    %add3A_65 = arith.constant 10000 : i32
    %add3A_66 = arith.addi %mul3A_8, %add3A_65 : i32
    %dma_start3A_67 = tpu.memref_slice %arg2[%add3A_66] : memref<320160xi32, #tpu.memory_space<hbm>> -> memref<80xi32, #tpu.memory_space<hbm>>
    %dma_start3A_68 = tpu.memref_slice %arg2[%add3A_66] : memref<320160xi32, #tpu.memory_space<hbm>> -> memref<80xi32, #tpu.memory_space<hbm>>
    tpu.enqueue_dma source(%dma_start3A_68 : memref<80xi32, #tpu.memory_space<hbm>>) target(%arg8 : memref<80xi32, #tpu.memory_space<vmem>>) target_semaphore(%arg14 : memref<!tpu.dma_semaphore, #tpu.memory_space<semaphore_mem>>)
    %add3A_69 = arith.constant 9920 : i32
    %add3A_70 = arith.addi %mul3A_8, %add3A_69 : i32
    %dma_wait3A_71 = tpu.memref_slice %arg2[%add3A_70] : memref<320160xi32, #tpu.memory_space<hbm>> -> memref<80xi32, #tpu.memory_space<hbm>>
    %dma_wait3A_72 = tpu.memref_slice %arg2[%add3A_70] : memref<320160xi32, #tpu.memory_space<hbm>> -> memref<80xi32, #tpu.memory_space<hbm>>
    tpu.wait_dma2 semaphore(%arg13 : memref<!tpu.dma_semaphore, #tpu.memory_space<semaphore_mem>>) src(%dma_wait3A_72 : memref<80xi32, #tpu.memory_space<hbm>>) dst(%arg7 : memref<80xi32, #tpu.memory_space<vmem>>)
    %dma_start3A_73 = arith.constant 0 : i32
    %dma_start3A_74 = arith.constant 0 : i32
    %dma_start3A_75 = tpu.memref_slice %arg12[%dma_start3A_73, %dma_start3A_74] : memref<10016x128xf32, #tpu.memory_space<vmem_shared>> -> memref<10016x128xf32, #tpu.memory_space<vmem_shared>>
    tpu.enqueue_indirect_dma source(%arg11 : memref<80x128xf32, #tpu.memory_space<vmem>>) target(%dma_start3A_75 : memref<10016x128xf32, #tpu.memory_space<vmem_shared>>) offsets(%arg7 : memref<80xi32, #tpu.memory_space<vmem>>) semaphore(%arg17 : memref<!tpu.dma_semaphore, #tpu.memory_space<semaphore_mem>>) {add = true}
    %dma_wait3A_76 = arith.constant 0 : i32
    %dma_wait3A_77 = arith.constant 0 : i32
    %dma_wait3A_78 = tpu.memref_slice %arg12[%dma_wait3A_76, %dma_wait3A_77] : memref<10016x128xf32, #tpu.memory_space<vmem_shared>> -> memref<10016x128xf32, #tpu.memory_space<vmem_shared>>
    tpu.wait_indirect_dma semaphore(%arg17 : memref<!tpu.dma_semaphore, #tpu.memory_space<semaphore_mem>>) src(%arg11 : memref<80x128xf32, #tpu.memory_space<vmem>>) dst(%dma_wait3A_78 : memref<10016x128xf32, #tpu.memory_space<vmem_shared>>)
    %add3A_79 = arith.constant 10080 : i32
    %add3A_80 = arith.addi %mul3A_8, %add3A_79 : i32
    %dma_start3A_81 = tpu.memref_slice %arg2[%add3A_80] : memref<320160xi32, #tpu.memory_space<hbm>> -> memref<80xi32, #tpu.memory_space<hbm>>
    %dma_start3A_82 = tpu.memref_slice %arg2[%add3A_80] : memref<320160xi32, #tpu.memory_space<hbm>> -> memref<80xi32, #tpu.memory_space<hbm>>
    tpu.enqueue_dma source(%dma_start3A_82 : memref<80xi32, #tpu.memory_space<hbm>>) target(%arg9 : memref<80xi32, #tpu.memory_space<vmem>>) target_semaphore(%arg15 : memref<!tpu.dma_semaphore, #tpu.memory_space<semaphore_mem>>)
    %dma_wait3A_83 = arith.constant 0 : i32
    %dma_wait3A_84 = arith.constant 0 : i32
    %dma_wait3A_85 = tpu.memref_slice %arg12[%dma_wait3A_83, %dma_wait3A_84] : memref<10016x128xf32, #tpu.memory_space<vmem_shared>> -> memref<10016x128xf32, #tpu.memory_space<vmem_shared>>
    tpu.wait_indirect_dma semaphore(%arg17 : memref<!tpu.dma_semaphore, #tpu.memory_space<semaphore_mem>>) src(%arg11 : memref<80x128xf32, #tpu.memory_space<vmem>>) dst(%dma_wait3A_85 : memref<10016x128xf32, #tpu.memory_space<vmem_shared>>)
    %dma_wait3A_86 = arith.constant 0 : i32
    %dma_wait3A_87 = arith.constant 0 : i32
    %dma_wait3A_88 = tpu.memref_slice %arg12[%dma_wait3A_86, %dma_wait3A_87] : memref<10016x128xf32, #tpu.memory_space<vmem_shared>> -> memref<10016x128xf32, #tpu.memory_space<vmem_shared>>
    tpu.wait_indirect_dma semaphore(%arg17 : memref<!tpu.dma_semaphore, #tpu.memory_space<semaphore_mem>>) src(%arg11 : memref<80x128xf32, #tpu.memory_space<vmem>>) dst(%dma_wait3A_88 : memref<10016x128xf32, #tpu.memory_space<vmem_shared>>)
    %add3A_89 = arith.constant 10000 : i32
    %add3A_90 = arith.addi %mul3A_8, %add3A_89 : i32
    %dma_wait3A_91 = tpu.memref_slice %arg2[%add3A_90] : memref<320160xi32, #tpu.memory_space<hbm>> -> memref<80xi32, #tpu.memory_space<hbm>>
    %dma_wait3A_92 = tpu.memref_slice %arg2[%add3A_90] : memref<320160xi32, #tpu.memory_space<hbm>> -> memref<80xi32, #tpu.memory_space<hbm>>
    tpu.wait_dma2 semaphore(%arg14 : memref<!tpu.dma_semaphore, #tpu.memory_space<semaphore_mem>>) src(%dma_wait3A_92 : memref<80xi32, #tpu.memory_space<hbm>>) dst(%arg8 : memref<80xi32, #tpu.memory_space<vmem>>)
    %add3A_93 = arith.constant 10080 : i32
    %add3A_94 = arith.addi %mul3A_8, %add3A_93 : i32
    %dma_wait3A_95 = tpu.memref_slice %arg2[%add3A_94] : memref<320160xi32, #tpu.memory_space<hbm>> -> memref<80xi32, #tpu.memory_space<hbm>>
    %dma_wait3A_96 = tpu.memref_slice %arg2[%add3A_94] : memref<320160xi32, #tpu.memory_space<hbm>> -> memref<80xi32, #tpu.memory_space<hbm>>
    tpu.wait_dma2 semaphore(%arg15 : memref<!tpu.dma_semaphore, #tpu.memory_space<semaphore_mem>>) src(%dma_wait3A_96 : memref<80xi32, #tpu.memory_space<hbm>>) dst(%arg9 : memref<80xi32, #tpu.memory_space<vmem>>)
    %barrier3A_97 = arith.constant 0 : index
    tpu.barrier barrier_id(%barrier3A_97)
    %mul3A_98 = arith.constant 624 : i32
    %mul3A_99 = arith.muli %arg1, %mul3A_98 : i32
    %dma_start3A_100 = arith.constant 0 : i32
    %dma_start3A_101 = tpu.memref_slice %arg6[%arg0, %mul3A_99, %dma_start3A_100] : memref<2x10000x128xf32, #tpu.memory_space<hbm>> -> memref<1x624x128xf32, #tpu.memory_space<hbm>>
    %dma_start3A_102 = tpu.memref_squeeze %dma_start3A_101 : memref<1x624x128xf32, #tpu.memory_space<hbm>> -> memref<624x128xf32, #tpu.memory_space<hbm>>
    %dma_start3A_103 = arith.constant 0 : i32
    %dma_start3A_104 = tpu.memref_slice %arg12[%mul3A_99, %dma_start3A_103] : memref<10016x128xf32, #tpu.memory_space<vmem_shared>> -> memref<624x128xf32, #tpu.memory_space<vmem_shared>>
    tpu.enqueue_dma source(%dma_start3A_104 : memref<624x128xf32, #tpu.memory_space<vmem_shared>>) target(%dma_start3A_102 : memref<624x128xf32, #tpu.memory_space<hbm>>) target_semaphore(%arg17 : memref<!tpu.dma_semaphore, #tpu.memory_space<semaphore_mem>>)
    %dma_wait3A_105 = arith.constant 0 : i32
    %dma_wait3A_106 = tpu.memref_slice %arg6[%arg0, %mul3A_99, %dma_wait3A_105] : memref<2x10000x128xf32, #tpu.memory_space<hbm>> -> memref<1x624x128xf32, #tpu.memory_space<hbm>>
    %dma_wait3A_107 = tpu.memref_squeeze %dma_wait3A_106 : memref<1x624x128xf32, #tpu.memory_space<hbm>> -> memref<624x128xf32, #tpu.memory_space<hbm>>
    %dma_wait3A_108 = arith.constant 0 : i32
    %dma_wait3A_109 = tpu.memref_slice %arg12[%mul3A_99, %dma_wait3A_108] : memref<10016x128xf32, #tpu.memory_space<vmem_shared>> -> memref<624x128xf32, #tpu.memory_space<vmem_shared>>
    tpu.wait_dma2 semaphore(%arg17 : memref<!tpu.dma_semaphore, #tpu.memory_space<semaphore_mem>>) src(%dma_wait3A_109 : memref<624x128xf32, #tpu.memory_space<vmem_shared>>) dst(%dma_wait3A_107 : memref<624x128xf32, #tpu.memory_space<hbm>>)
    %eq3A_110 = arith.constant 15 : i32
    %eq3A_111 = arith.cmpi eq, %arg1, %eq3A_110 : i32
    %convert_element_type3A_112 = arith.extui %eq3A_111 : i1 to i32
    %cond3A_113 = arith.constant 0 : i32
    %cond3A_114 = arith.cmpi ne, %convert_element_type3A_112, %cond3A_113 : i32
    scf.if %cond3A_114 {
      %dma_start3A_115 = arith.constant 9984 : i32
      %dma_start3A_116 = arith.constant 0 : i32
      %dma_start3A_117 = tpu.memref_slice %arg6[%arg0, %dma_start3A_115, %dma_start3A_116] : memref<2x10000x128xf32, #tpu.memory_space<hbm>> -> memref<1x16x128xf32, #tpu.memory_space<hbm>>
      %dma_start3A_118 = tpu.memref_squeeze %dma_start3A_117 : memref<1x16x128xf32, #tpu.memory_space<hbm>> -> memref<16x128xf32, #tpu.memory_space<hbm>>
      %dma_start3A_119 = arith.constant 9984 : i32
      %dma_start3A_120 = arith.constant 0 : i32
      %dma_start3A_121 = tpu.memref_slice %arg12[%dma_start3A_119, %dma_start3A_120] : memref<10016x128xf32, #tpu.memory_space<vmem_shared>> -> memref<16x128xf32, #tpu.memory_space<vmem_shared>>
      tpu.enqueue_dma source(%dma_start3A_121 : memref<16x128xf32, #tpu.memory_space<vmem_shared>>) target(%dma_start3A_118 : memref<16x128xf32, #tpu.memory_space<hbm>>) target_semaphore(%arg17 : memref<!tpu.dma_semaphore, #tpu.memory_space<semaphore_mem>>)
      %dma_wait3A_122 = arith.constant 9984 : i32
      %dma_wait3A_123 = arith.constant 0 : i32
      %dma_wait3A_124 = tpu.memref_slice %arg6[%arg0, %dma_wait3A_122, %dma_wait3A_123] : memref<2x10000x128xf32, #tpu.memory_space<hbm>> -> memref<1x16x128xf32, #tpu.memory_space<hbm>>
      %dma_wait3A_125 = tpu.memref_squeeze %dma_wait3A_124 : memref<1x16x128xf32, #tpu.memory_space<hbm>> -> memref<16x128xf32, #tpu.memory_space<hbm>>
      %dma_wait3A_126 = arith.constant 9984 : i32
      %dma_wait3A_127 = arith.constant 0 : i32
      %dma_wait3A_128 = tpu.memref_slice %arg12[%dma_wait3A_126, %dma_wait3A_127] : memref<10016x128xf32, #tpu.memory_space<vmem_shared>> -> memref<16x128xf32, #tpu.memory_space<vmem_shared>>
      tpu.wait_dma2 semaphore(%arg17 : memref<!tpu.dma_semaphore, #tpu.memory_space<semaphore_mem>>) src(%dma_wait3A_128 : memref<16x128xf32, #tpu.memory_space<vmem_shared>>) dst(%dma_wait3A_125 : memref<16x128xf32, #tpu.memory_space<hbm>>)
    } else {
    }
    return
  }
}

</mosaic_0001>

<sc_bundles>
// kernel: _sc_degrees.3.cloned.1.call-start
scs
__scs_entry_jumppad:
0x0: {  	(pc) =	sbr.rel $0x88, $3  }
0x1: {  	(tag) =	ssettag $0x0;
	lr =	simm.s32 $0x1  }
0x2: {  	[smem:$0x3F9D] =	sst lr;
	_ =	strace $0xD0000000  }
0x3: {  	_ = 	snop  }
0x4: {  	_ = 	snop  }
0x5: {  	_ = 	snop  }
0x6: {  	_ = 	snop  }
0x7: {  	_ = 	snop  }
__scs_overlays_trampoline_lowered:
0x8: {  	[smem:$0x3FAC] =	sst s0  }
0x9: {  	[smem:$0x3FAD] =	sst s1  }
0xa: {  	[smem:$0x3FAE] =	sst s2  }
0xb: {  	[smem:$0x3FAF] =	sst s3  }
0xc: {  	[smem:$0x3FB0] =	sst s4  }
0xd: {  	[smem:$0x3FB1] =	sst s5  }
0xe: {  	[smem:$0x3FB2] =	sst s6  }
0xf: {  	[smem:$0x3FB3] =	sst s7  }
0x10: {  	[smem:$0x3FB4] =	sst s8  }
0x11: {  	[smem:$0x3FB5] =	sst s9;
	s0 =	simm.s32 @!p0 $0x0  }
0x12: {  	s1 =	sld [smem:$0x3F9B];
	s0 =	simm.s32 @p0 $0x1  }
0x13: {  	[smem:$0x3FB6] =	sst s0;
	s0 =	simm.s32 @!p1 $0x0  }
0x14: {  	s2 =	sld [smem:$0x3F9A];
	s0 =	simm.s32 @p1 $0x1  }
0x15: {  	[smem:$0x3FB7] =	sst s0;
	s0 =	simm.s32 @!p2 $0x0  }
0x16: {  	s3 =	sld [smem:$0x3FDB];
	s0 =	simm.s32 @p2 $0x1  }
0x17: {  	s4 =	simm.s32 $0x1BF5;
	[smem:$0x3FB9] =	sst s0  }
0x18: {  	s0 =	sld [smem:$0x3F9C];
	_ =	swait.ge [sflag:s4], $0x0  }
0x19: {  	s7 =	sld [smem:$0x3F9D]  }
0x1a: {  	s8 =	sadd.s32 $0xFFFFE003, lr  }
0x1b: {  	s9 =	sadd.s32 $0xFFFFFEF7, lr;
	s5 =	simm.s32 $0xFFFFFFFF;
	p2 =	slt.u32 s8, $0xFFFFF086  }
0x1c: {  	p1 =	slt.u32 s9, $0xF7A;
	s5 =	simm.s32 @!p2 $0x0  }
0x1d: {  	s5 =	simm.s32 @p1 $0x1;
	p0 =	seq.s32 s7, s2  }
0x1e: {  	s7 =	smul.u32 @!p0 $0xF7A, s2;
	p2 =	seq.s32 @!p0 s5, $0x0  }
0x1f: {  	s9 =	smul.u32 $0xF7A, s1;
	s8 =	simm.s32 @!p0 $0x1BF5;
	p2 =	por !p2, p0  }
0x20: {  	[sflag:s8] =	ssyncset.s32 @!p0 $0xFFFFF086;
	s6 =	sadd.s32 @!p0 s3, s7;
	s7 =	simm.s32 @!p0 $0x108  }
0x21: {  	s3 =	sadd.s32 s3, s9;
	s6 =	sadd.s32 @!p0 $0x88, s6;
	s7 =	simm.s32 @p2 $0x1082  }
0x22: {  	[simem:s7], [sflag:s8] =	dma.local @!p0 [hbm:s6], $0xF7A  }
0x23: {  	s9 =	sor.u32 $0xD0000000, s2;
	s6 =	simm.s32 $0x108;
	_ =	swait.ge @!p0 [sflag:s8], $0x0  }
0x24: {  	s3 =	sadd.s32 $0x88, s3;
	s6 =	simm.s32 @!p1 $0x1082;
	[sflag:s4] =	ssyncset.s32 $0xFFFFF086  }
0x25: {  	[simem:s6], [sflag:s4] =	dma.local [hbm:s3], $0xF7A  }
0x26: {  	[smem:$0x3F9D] =	sst s1;
	(tag) =	ssettag s2;
	_ =	strace s9  }
0x27: {  	s1 =	sld [smem:$0x3FAD]  }
0x28: {  	s2 =	sld [smem:$0x3FAE]  }
0x29: {  	s4 =	sld [smem:$0x3FB0]  }
0x2a: {  	p0 =	seq.s32 s5, $0x0;
	s5 =	sld [smem:$0x3FB1]  }
0x2b: {  	s6 =	sld [smem:$0x3FB2]  }
0x2c: {  	s7 =	sld [smem:$0x3FB3]  }
0x2d: {  	s3 =	simm.s32 $0x108;
	s8 =	sld [smem:$0x3FB4]  }
0x2e: {  	s3 =	simm.s32 @!p0 $0x1082;
	s9 =	sld [smem:$0x3FB5]  }
0x2f: {  	lr =	sadd.s32 s0, s3;
	s0 =	sld [smem:$0x3FAC]  }
0x30: {  	s3 =	sld [smem:$0x3FAF]  }
0x31: {  	[smem:$0x3FB8] =	sst s10  }
0x32: {  	s10 =	sld [smem:$0x3FB6];
	_ =	sdelay $0x3  }
0x33: {  	p0 =	seq.s32 s10, $0x1;
	s10 =	sld [smem:$0x3FB8];
	_ =	sdelay $0x3  }
0x34: {  	[smem:$0x3FB8] =	sst s10  }
0x35: {  	s10 =	sld [smem:$0x3FB7];
	_ =	sdelay $0x3  }
0x36: {  	p1 =	seq.s32 s10, $0x1;
	s10 =	sld [smem:$0x3FB8];
	_ =	sdelay $0x3  }
0x37: {  	[smem:$0x3FB8] =	sst s10  }
0x38: {  	s10 =	sld [smem:$0x3FB9]  }
0x39: {  	_ = 	snop;
	(pc) =	sbr.ind lr, $3  }
0x3a: {  	_ = 	snop  }
0x3b: {  	_ = 	snop  }
0x3c: {  	p2 =	seq.s32 s10, $0x1;
	s10 =	sld [smem:$0x3FB8]  }
0x3d: {  	_ =	shalt  }
0x3e: {  	_ =	shalt  }
0x3f: {  	_ =	shalt  }
0x40: {  	_ =	shalt  }
0x41: {  	_ =	shalt  }
0x42: {  	_ =	shalt  }
0x43: {  	_ =	shalt  }
0x44: {  	_ =	shalt  }
0x45: {  	_ =	shalt  }
0x46: {  	_ =	shalt  }
0x47: {  	_ =	shalt  }
0x48: {  	_ =	shalt  }
0x49: {  	_ =	shalt  }
0x4a: {  	_ =	shalt  }
0x4b: {  	_ =	shalt  }
0x4c: {  	_ =	shalt  }
0x4d: {  	_ =	shalt  }
0x4e: {  	_ =	shalt  }
0x4f: {  	_ =	shalt  }
0x50: {  	_ =	shalt  }
0x51: {  	_ =	shalt  }
0x52: {  	_ =	shalt  }
0x53: {  	_ =	shalt  }
0x54: {  	_ =	shalt  }
0x55: {  	_ =	shalt  }
0x56: {  	_ =	shalt  }
0x57: {  	_ =	shalt  }
0x58: {  	_ =	shalt  }
0x59: {  	_ =	shalt  }
0x5a: {  	_ =	shalt  }
0x5b: {  	_ =	shalt  }
0x5c: {  	_ =	shalt  }
0x5d: {  	_ =	shalt  }
0x5e: {  	_ =	shalt  }
0x5f: {  	_ =	shalt  }
0x60: {  	_ =	shalt  }
0x61: {  	_ =	shalt  }
0x62: {  	_ =	shalt  }
0x63: {  	_ =	shalt  }
0x64: {  	_ =	shalt  }
0x65: {  	_ =	shalt  }
0x66: {  	_ =	shalt  }
0x67: {  	_ =	shalt  }
0x68: {  	_ =	shalt  }
0x69: {  	_ =	shalt  }
0x6a: {  	_ =	shalt  }
0x6b: {  	_ =	shalt  }
0x6c: {  	_ =	shalt  }
0x6d: {  	_ =	shalt  }
0x6e: {  	_ =	shalt  }
0x6f: {  	_ =	shalt  }
0x70: {  	_ =	shalt  }
0x71: {  	_ =	shalt  }
0x72: {  	_ =	shalt  }
0x73: {  	_ =	shalt  }
0x74: {  	_ =	shalt  }
0x75: {  	_ =	shalt  }
0x76: {  	_ =	shalt  }
0x77: {  	_ =	shalt  }
0x78: {  	_ =	shalt  }
0x79: {  	_ =	shalt  }
0x7a: {  	_ =	shalt  }
0x7b: {  	_ =	shalt  }
0x7c: {  	_ =	shalt  }
0x7d: {  	_ =	shalt  }
0x7e: {  	_ =	shalt  }
0x7f: {  	_ =	shalt  }
0x80: {  	_ =	shalt  }
0x81: {  	_ =	shalt  }
0x82: {  	_ =	shalt  }
0x83: {  	_ =	shalt  }
0x84: {  	_ =	shalt  }
0x85: {  	_ =	shalt  }
0x86: {  	_ =	shalt  }
0x87: {  	_ =	shalt  }
.Lfunc_end0:
.L_simem_size_0:
called_computation_lowered:
.L_overlay_start_0:
0x88: {  	s2 =	sld [smem:$0x3FD9]  }
0x89: {  	s3 =	sld [smem:$0x3FFE];
	_ =	sdelay $0x1  }
0x8a: {  	s1 =	srdreg.scid  }
0x8b: {  	s0 =	sand.u32 $0x1, s1  }
0x8c: {  	s18 =	sshll.u32 s0, $0xA;
	s2 =	sadd.s32 s3, s2  }
0x8d: {  	s2 =	sadd.s32 s2, s18  }
0x8e: {  	[smem:$0x3FC4] =	sst s2  }
0x8f: {  	_ = 	snop  }
0x90: {  	s2 =	sld [smem:$0x3FC9]  }
0x91: {  	s19 =	sld [smem:$0x3FC8]  }
0x92: {  	s4 =	sld [smem:$0x3FC7]  }
0x93: {  	s5 =	sld [smem:$0x3FC6]  }
0x94: {  	s6 =	sld [smem:$0x3FD0];
	(tm) =	ssettm $0x1  }
0x95: {  	s7 =	sld [smem:$0x3FFB];
	_ =	sdelay $0x3  }
0x96: {  	_ =	strace s7  }
0x97: {  	s7 =	sld [smem:$0x3FFC];
	_ =	sdelay $0x3  }
0x98: {  	_ =	strace s7  }
0x99: {  	s7 =	sld [smem:$0x3FFD];
	_ =	sdelay $0x3  }
0x9a: {  	_ =	strace s7  }
0x9b: {  	_ =	strace $0x8FFFFFFF  }
0x9c: {  	s20 =	sld [smem:$0x3FDB];
	_ =	sdelay $0x1  }
0x9d: {  	s8 =	simm.s32 $_scs_section_size  }
0x9e: {  	s9 =	simm.s32 $_size__tile_overlayer_lowered;
	s10 =	simm.s32 $_tile_overlayer_lowered  }
0x9f: {  	s23 =	simm.s32 $0x1BFF;
	s22 =	sshll.u32 s10, $0x1;
	s7 =	sadd.s32 s8, s20  }
0xa0: {  	s11 =	simm.s32 $0x0;
	s21 =	sshll.u32 s9, $0x1;
	s9 =	sadd.s32 s22, s7  }
0xa1: {  	[timem:s11], [sflag:s23] =	dma.local [hbm:s9], s21  }
0xa2: {  	_ =	swait.ge [sflag:s23], s21  }
0xa3: {  	s8 =	ssub.s32 $0x0, s21;
	[sflag:s23] =	ssyncset.done $0x0  }
0xa4: {  	[sflag:s23] =	ssyncadd.s32 s8;
	_ =	sdelay $0x1  }
0xa5: {  	s24 =	simm.s32 $0x1B8B  }
0xa6: {  	_ =	swait.ge [sflag:s24], $0x1  }
0xa7: {  	[sflag:s24] =	ssyncset.done $0x0  }
0xa8: {  	s25 =	simm.s32 $0x1B8E;
	[sflag:s24] =	ssyncadd.s32 $0xFFFFFFFF  }
0xa9: {  	s26 =	simm.s32 $execute0_lowered;
	[smem:$0x3FD2] =	sst s25  }
0xaa: {  	s8 =	sshll.u32 s26, $0x1;
	_ =	strace $0x80000046;
	[dreg:$0x1] =	wrdreg $0xFFFFFFFF  }
0xab: {  	s28 =	simm.s32 $_size_execute0_lowered;
	s7 =	sadd.s32 s7, s8;
	[dreg:$0x0] =	wrdreg $0x0  }
0xac: {  	s8 =	sshll.u32 s28, $0x1;
	[dreg:$0x2] =	wrdreg s7  }
0xad: {  	[dreg:$0x3] =	wrdreg s8  }
0xae: {  	[dreg:$0x4] =	wrdreg $0xC0  }
0xaf: {  	_ =	task [dreg:s11], $0x5FFFF  }
0xb0: {  	[dreg:$0x1] =	wrdreg $0xFFFFFFFF  }
0xb1: {  	[dreg:$0x0] =	wrdreg $0x60  }
0xb2: {  	[dreg:$0x2] =	wrdreg s2  }
0xb3: {  	[dreg:$0x3] =	wrdreg s19  }
0xb4: {  	[dreg:$0x4] =	wrdreg s4  }
0xb5: {  	[dreg:$0x5] =	wrdreg s5  }
0xb6: {  	[dreg:$0x6] =	wrdreg s6  }
0xb7: {  	[dreg:$0x7] =	wrdreg $0x2A000  }
0xb8: {  	[dreg:$0x8] =	wrdreg $0x9  }
0xb9: {  	_ =	task.clear_ibuf [dreg:s11], $0x9FFFF;
	_ =	strace $0x90000046  }
0xba: {  	s29 =	simm.s32 $0x9;
	_ =	strace $0x80000048  }
0xbb: {  	_ =	swait.ge [sflag:s29], $0x1  }
0xbc: {  	[sflag:s29] =	ssyncadd.s32 $0xFFFFFFFF  }
0xbd: {  	_ =	strace $0x90000048  }
0xbe: {  	_ =	sfence  }
0xbf: {  	s30 =	sld [smem:$0x0];
	_ =	sdelay $0x2  }
0xc0: {  	s31 =	sshll.u32 s1, $0xD;
	s1 =	sshrl.u32 s1, $0x2  }
0xc1: {  	s3 =	sand.u32 $0x4000, s31;
	s1 =	sadd.s32 s1, s30  }
0xc2: {  	s0 =	sor.u32 s3, s0;
	s1 =	sshll.u32 s1, $0x11  }
0xc3: {  	s0 =	sor.u32 s1, s0  }
0xc4: {  	s0 =	sadd.s32 $0x8F2B, s0  }
0xc5: {  	[sflag:s0] =	ssyncadd.remote.s32 $0x1  }
0xc6: {  	_ =	sfence.sel $0xFFFF  }
0xc7: {  	[dreg:$0x0] =	wrdreg $0xFFFFFFFF;
	(pc) =	sbr.abs _section_cstart, $3  }
0xc8: {  	[dreg:$0x1] =	wrdreg $0xFFFFFFFF  }
0xc9: {  	_ =	task.clear_ibuf [dreg:s11], $0x2FFFF;
	_ =	strace $0x9FFFFFFF  }
0xca: {  	(tm) =	ssettm $0x7FFFFFFF  }
0xcb: {  	_ =	shalt  }
tec
execute0_lowered:
.L_overlay_start_1:
0x0: {  	(tag) =	ssettag $0x1  }
0x1: {  	s1 =	rddreg [dreg:$0x0]  }
0x2: {  	s11 =	rddreg [dreg:$0x1]  }
0x3: {  	s10 =	rddreg [dreg:$0x2]  }
0x4: {  	s0 =	rddreg [dreg:$0x4]  }
0x5: {  	s5 =	rddreg [dreg:$0x5]  }
0x6: {  	s7 =	simm.s32 $0x0;
	s2 =	srdreg.scid;
	s13 =	stileid.u32  }
0x7: {  	s28 =	simm.s32 $0x200;
	s29 =	simm.s32 $0x80;
	s4 =	smul.u32 $0x4E000, s13  }
0x8: {  	s30 =	simm.s32 $0x1;
	s31 =	simm.s32 $0x50;
	s8 =	smul.u32 $0x2700, s13  }
0x9: {  	[smem:$0x7FF] =	sst s7;
	s2 =	sand.u32 $0x1, s2;
	s26 =	smul.u32 $0x13800, s13  }
0xa: {  	s3 =	sshll.u32 s13, $0x1;
	s14 =	smul.u32 $0x4E20, s13;
	p1 =	seq.s32 s13, $0xF  }
0xb: {  	p2 =	sne.s32 s13, $0xF;
	s6 =	ssub.s32 $0x2, s2;
	s23 =	smul.u32 $0x138800, s2  }
0xc: {  	s3 =	sor.u32 s2, s3;
	_ =	strace $0x80000047;
	s16 =	smul.u32 $0x2710, s2  }
0xd: {  	p0 =	sne.s32 s2, $0x0;
	s9 =	sshrl.u32 s6, $0x1;
	s4 =	sshrl.u32 s4, $0x2  }
0xe: {  	s3 =	smul.u32 $0x2710, s3;
	s21 =	sadd.s32 s10, s8;
	s10 =	sadd.s32 $0x138000, s5  }
0xf: {  	s22 =	sadd.s32 s11, s8;
	s6 =	ssub.s32 s6, s9;
	[dreg:$0x8] =	wrdreg s21  }
0x10: {  	s4 =	sadd.s32 s4, s5;
	[dreg:$0x9] =	wrdreg s22;
	s17 =	sadd.s32 s16, s14  }
0x11: {  	[dreg:$0x7] =	wrdreg s4;
	s3 =	sshrl.u32 s3, $0x3;
	s4 =	sadd.s32 s26, s23  }
0x12: {  	s21 =	smax.u32 s6, $0x1;
	s26 =	sadd.s32 $0x190, s17;
	s6 =	simm.s32 $0x0  }
0x13: {  	s12 =	sadd.s32 s1, s3;
	s4 =	sshrl.u32 s4, $0x3;
	s3 =	sshrl.u32 s23, $0x3  }
0x14: {  	s2 =	sshrl.u32 s26, $0x3;
	s26 =	simm.s32 $0x6;
	s24 =	sadd.s32 $0xA, s12  }
0x15: {  	s25 =	sadd.s32 $0x14, s12;
	s9 =	sadd.s32 $0x1E, s12;
	[dreg:$0xa] =	wrdreg s24  }
0x16: {  	s11 =	sadd.s32 $0x4D8, s12;
	s15 =	sadd.s32 $0x4E2, s12;
	[dreg:$0xb] =	wrdreg s25  }
0x17: {  	s18 =	sadd.s32 $0x4EC, s12;
	s19 =	sadd.s32 s0, s4;
	[dreg:$0xc] =	wrdreg s9  }
0x18: {  	s0 =	sadd.s32 s0, s3;
	s3 =	simm.s32 $0x180;
	[dreg:$0xd] =	wrdreg s11  }
0x19: {  	[dreg:$0xe] =	wrdreg s15;
	s20 =	sadd.s32 $0x27000, s0;
	s24 =	sadd.s32 $0x230, s17  }
0x1a: {  	s25 =	sadd.s32 $0x1E0, s17;
	s9 =	simm.s32 $0x5;
	s11 =	simm.s32 $0x4  }
0x1b: {  	s0 =	sshrl.u32 s24, $0x3;
	s4 =	sshrl.u32 s25, $0x3;
	s24 =	sadd.s32 s2, s1  }
0x1c: {  	s25 =	sadd.s32 $0x140, s17;
	s2 =	simm.s32 $0x2;
	s22 =	sadd.s32 s0, s1  }
0x1d: {  	s23 =	sadd.s32 s4, s1;
	s0 =	simm.s32 $0x100;
	s4 =	simm.s32 $0x3  }
.LBB2_1:
.Ltmp0:
0x1e: {  	(pc) =	sbr.rel @p0 .LBB2_3-.Ltmp0, $4  }
0x1f: {  	_ = 	snop  }
0x20: {  	s8 =	stileid.u32  }
0x21: {  	s13 =	rddreg [dreg:$0x7];
	s8 =	sshll.u32 s8, $0x6  }
0x22: {  	s13 =	sshrl.u32 s13, $0x3;
	s14 =	sor.u32 $0x1C06, s8  }
0x23: {  	s14 =	sor.u32 $0x1C06, s8;
	s15 =	rddreg [dreg:$0x9]  }
0x24: {  	[spmem:s13], [sflag:s14] =	dma.local [hbm:s15], $0x2700  }
.Ltmp1:
0x25: {  	_ = 	snop;
	(pc) =	sbr.rel @p1 .LBB2_4-.Ltmp1, $4  }
.Ltmp2:
0x26: {  	_ =	swait.ge [sflag:s26], $0x2700;
	(pc) =	sbr.rel @!p1 .LBB2_5-.Ltmp2, $4  }
0x27: {  	[sflag:s26] =	ssyncset.done $0x0  }
0x28: {  	[sflag:s26] =	ssyncadd.s32 $0xFFFFD900  }
0x29: {  	s15 =	rddreg [dreg:$0x1]  }
0x2a: {  	_ = 	snop  }
.LBB2_3:
0x2b: {  	s15 =	rddreg [dreg:$0x8]  }
0x2c: {  	[spmem:s13], [sflag:s14] =	dma.local [hbm:s15], $0x2700  }
.Ltmp3:
0x2d: {  	_ = 	snop;
	(pc) =	sbr.rel @p2 .LBB2_5-.Ltmp3, $4  }
0x2e: {  	_ =	swait.ge [sflag:s26], $0x2700  }
0x2f: {  	[sflag:s26] =	ssyncset.done $0x0  }
0x30: {  	[sflag:s26] =	ssyncadd.s32 $0xFFFFD900  }
0x31: {  	s15 =	rddreg [dreg:$0x2]  }
.LBB2_4:
0x32: {  	s15 =	sadd.s32 $0x27000, s15;
	s16 =	sshrl.u32 s10, $0x3  }
0x33: {  	[spmem:s16], [sflag:s14] =	dma.local [hbm:s15], $0x100  }
0x34: {  	_ =	swait.ge [sflag:s26], $0x100  }
0x35: {  	[sflag:s26] =	ssyncset.done $0x0  }
0x36: {  	[sflag:s26] =	ssyncadd.s32 $0xFFFFFF00  }
.LBB2_5:
0x37: {  	s14 =	simm.s32 $0x0;
	s15 =	rddreg [dreg:$0x3]  }
0x38: {  	[tilespmem:s28], [sflag:$0x6] =	stream.linear.gather [hbm4b:s15+s14], $0x2800, $0x38;
	[tilespmem:$0x16300] =	vst v63  }
0x39: {  	_ =	swait.ge [sflag:s26], $0x2800  }
0x3a: {  	[sflag:s26] =	ssyncset.done $0x0  }
0x3b: {  	[sflag:s26] =	ssyncadd.s32 $0xFFFFD800  }
0x3c: {  	[bflag:$0x0] =	sbarrier.arrive $0xFFFF  }
0x3d: {  	[tilespmem:s14], [sflag:$0x1] =	stream.linear.gather [hbm4b:s12+s14], $0x50, $0x38;
	[tilespmem:$0x16300] =	vst v63  }
0x3e: {  	s17 =	rddreg [dreg:$0xa]  }
0x3f: {  	[tilespmem:s29], [sflag:$0x2] =	stream.linear.gather [hbm4b:s17+s14], $0x50, $0x38;
	[tilespmem:$0x16300] =	vst v63  }
0x40: {  	_ =	swait.ge [sflag:s30], $0x50  }
0x41: {  	[sflag:s30] =	ssyncset.done $0x0  }
0x42: {  	[sflag:s30] =	ssyncadd.s32 $0xFFFFFFB0  }
0x43: {  	[spmem:s5] =	stream.indirect.scatter.add.f32 [tilespmem:s28], [sflag:$0x5], $0x80, s14, s31, $0xb8;
	[tilespmem:$0x16300] =	vst v63  }
0x44: {  	s16 =	rddreg [dreg:$0xb]  }
0x45: {  	[tilespmem:s0], [sflag:$0x3] =	stream.linear.gather [hbm4b:s16+s14], $0x50, $0x38;
	[tilespmem:$0x16300] =	vst v63  }
0x46: {  	_ =	swait.ge [sflag:s2], $0x50  }
0x47: {  	[sflag:s2] =	ssyncset.done $0x0  }
0x48: {  	[sflag:s2] =	ssyncadd.s32 $0xFFFFFFB0  }
0x49: {  	[spmem:s5] =	stream.indirect.scatter.add.f32 [tilespmem:s28], [sflag:$0x5], $0x80, s29, s31, $0xb8;
	[tilespmem:$0x16300] =	vst v63  }
0x4a: {  	s17 =	rddreg [dreg:$0xc]  }
0x4b: {  	[tilespmem:s3], [sflag:$0x4] =	stream.linear.gather [hbm4b:s17+s14], $0x50, $0x38;
	[tilespmem:$0x16300] =	vst v63  }
0x4c: {  	_ =	swait.ge [sflag:s4], $0x50  }
0x4d: {  	[sflag:s4] =	ssyncset.done $0x0  }
0x4e: {  	[sflag:s4] =	ssyncadd.s32 $0xFFFFFFB0  }
0x4f: {  	[spmem:s5] =	stream.indirect.scatter.add.f32 [tilespmem:s28], [sflag:$0x5], $0x80, s0, s31, $0xb8;
	[tilespmem:$0x16300] =	vst v63  }
0x50: {  	_ =	swait.ge [sflag:s9], $0x2800  }
0x51: {  	s15 =	sshrl.u32 s25, $0x3;
	[sflag:s9] =	ssyncset.done $0x0  }
0x52: {  	s14 =	sadd.s32 s1, s15;
	[sflag:s9] =	ssyncadd.s32 $0xFFFFD800  }
0x53: {  	[tilespmem:s7], [sflag:$0x1] =	stream.linear.gather [hbm4b:s14+s7], $0x50, $0x38;
	[tilespmem:$0x16300] =	vst v63  }
0x54: {  	_ =	swait.ge [sflag:s11], $0x50  }
0x55: {  	[sflag:s11] =	ssyncset.done $0x0  }
0x56: {  	[sflag:s11] =	ssyncadd.s32 $0xFFFFFFB0  }
0x57: {  	[spmem:s5] =	stream.indirect.scatter.add.f32 [tilespmem:s28], [sflag:$0x5], $0x80, s3, s31, $0xb8;
	[tilespmem:$0x16300] =	vst v63  }
0x58: {  	_ =	swait.ge [sflag:s9], $0x2800  }
0x59: {  	[sflag:s9] =	ssyncset.done $0x0  }
0x5a: {  	s16 =	sadd.s32 $0x0, s24;
	[sflag:s9] =	ssyncadd.s32 $0xFFFFD800  }
0x5b: {  	[tilespmem:s29], [sflag:$0x2] =	stream.linear.gather [hbm4b:s16+s7], $0x50, $0x38;
	[tilespmem:$0x16300] =	vst v63  }
0x5c: {  	_ =	swait.ge [sflag:s30], $0x50  }
0x5d: {  	[sflag:s30] =	ssyncset.done $0x0  }
0x5e: {  	[sflag:s30] =	ssyncadd.s32 $0xFFFFFFB0  }
0x5f: {  	[spmem:s5] =	stream.indirect.scatter.add.f32 [tilespmem:s28], [sflag:$0x5], $0x80, s7, s31, $0xb8;
	[tilespmem:$0x16300] =	vst v63  }
0x60: {  	_ =	swait.ge [sflag:s9], $0x2800  }
0x61: {  	[sflag:s9] =	ssyncset.done $0x0  }
0x62: {  	s17 =	sadd.s32 $0x0, s23;
	[sflag:s9] =	ssyncadd.s32 $0xFFFFD800  }
0x63: {  	[tilespmem:s0], [sflag:$0x3] =	stream.linear.gather [hbm4b:s17+s7], $0x50, $0x38;
	[tilespmem:$0x16300] =	vst v63  }
0x64: {  	_ =	swait.ge [sflag:s2], $0x50  }
0x65: {  	[sflag:s2] =	ssyncset.done $0x0  }
0x66: {  	[sflag:s2] =	ssyncadd.s32 $0xFFFFFFB0  }
0x67: {  	[spmem:s5] =	stream.indirect.scatter.add.f32 [tilespmem:s28], [sflag:$0x5], $0x80, s29, s31, $0xb8;
	[tilespmem:$0x16300] =	vst v63  }
0x68: {  	_ =	swait.ge [sflag:s9], $0x2800  }
0x69: {  	s15 =	sadd.s32 $0x140, s25;
	[sflag:s9] =	ssyncset.done $0x0  }
0x6a: {  	s14 =	simm.s32 $0x28;
	s16 =	sadd.s32 $0x0, s22;
	[sflag:s9] =	ssyncadd.s32 $0xFFFFD800  }
.LBB2_6:
0x6b: {  	[tilespmem:s3], [sflag:$0x4] =	stream.linear.gather [hbm4b:s16+s7], $0x50, $0x38;
	[tilespmem:$0x16300] =	vst v63  }
0x6c: {  	s16 =	smov.u32 s14  }
0x6d: {  	p3 =	sne.s32 s14, $0x488;
	s14 =	sadd.s32 $0x28, s14;
	_ =	swait.ge [sflag:s4], $0x50  }
0x6e: {  	[sflag:s4] =	ssyncset.done $0x0  }
0x6f: {  	[sflag:s4] =	ssyncadd.s32 $0xFFFFFFB0  }
0x70: {  	[spmem:s5] =	stream.indirect.scatter.add.f32 [tilespmem:s28], [sflag:$0x5], $0x80, s0, s31, $0xb8;
	[tilespmem:$0x16300] =	vst v63  }
0x71: {  	_ =	swait.ge [sflag:s9], $0x2800  }
0x72: {  	s17 =	sshrl.u32 s15, $0x3;
	[sflag:s9] =	ssyncset.done $0x0  }
0x73: {  	s17 =	sadd.s32 s1, s17;
	[sflag:s9] =	ssyncadd.s32 $0xFFFFD800  }
0x74: {  	[tilespmem:s7], [sflag:$0x1] =	stream.linear.gather [hbm4b:s17+s7], $0x50, $0x38;
	[tilespmem:$0x16300] =	vst v63  }
0x75: {  	_ =	swait.ge [sflag:s11], $0x50  }
0x76: {  	[sflag:s11] =	ssyncset.done $0x0  }
0x77: {  	[sflag:s11] =	ssyncadd.s32 $0xFFFFFFB0  }
0x78: {  	[spmem:s5] =	stream.indirect.scatter.add.f32 [tilespmem:s28], [sflag:$0x5], $0x80, s3, s31, $0xb8;
	[tilespmem:$0x16300] =	vst v63  }
0x79: {  	_ =	swait.ge [sflag:s9], $0x2800  }
0x7a: {  	[sflag:s9] =	ssyncset.done $0x0  }
0x7b: {  	s17 =	sadd.s32 s16, s24;
	[sflag:s9] =	ssyncadd.s32 $0xFFFFD800  }
0x7c: {  	[tilespmem:s29], [sflag:$0x2] =	stream.linear.gather [hbm4b:s17+s7], $0x50, $0x38;
	[tilespmem:$0x16300] =	vst v63  }
0x7d: {  	_ =	swait.ge [sflag:s30], $0x50  }
0x7e: {  	[sflag:s30] =	ssyncset.done $0x0  }
0x7f: {  	[sflag:s30] =	ssyncadd.s32 $0xFFFFFFB0  }
0x80: {  	[spmem:s5] =	stream.indirect.scatter.add.f32 [tilespmem:s28], [sflag:$0x5], $0x80, s7, s31, $0xb8;
	[tilespmem:$0x16300] =	vst v63  }
0x81: {  	_ =	swait.ge [sflag:s9], $0x2800  }
0x82: {  	[sflag:s9] =	ssyncset.done $0x0  }
0x83: {  	s17 =	sadd.s32 s16, s23;
	[sflag:s9] =	ssyncadd.s32 $0xFFFFD800  }
0x84: {  	[tilespmem:s0], [sflag:$0x3] =	stream.linear.gather [hbm4b:s17+s7], $0x50, $0x38;
	[tilespmem:$0x16300] =	vst v63  }
0x85: {  	_ =	swait.ge [sflag:s2], $0x50  }
0x86: {  	[sflag:s2] =	ssyncset.done $0x0  }
.Ltmp4:
0x87: {  	[sflag:s2] =	ssyncadd.s32 $0xFFFFFFB0;
	(pc) =	sbr.rel @p3 .LBB2_6-.Ltmp4, $4  }
0x88: {  	[spmem:s5] =	stream.indirect.scatter.add.f32 [tilespmem:s28], [sflag:$0x5], $0x80, s29, s31, $0xb8;
	[tilespmem:$0x16300] =	vst v63  }
0x89: {  	_ =	swait.ge [sflag:s9], $0x2800  }
0x8a: {  	[sflag:s9] =	ssyncset.done $0x0  }
0x8b: {  	s15 =	sadd.s32 $0x140, s15;
	s16 =	sadd.s32 s16, s22;
	[sflag:s9] =	ssyncadd.s32 $0xFFFFD800  }
0x8c: {  	[tilespmem:s3], [sflag:$0x4] =	stream.linear.gather [hbm4b:s16+s7], $0x50, $0x38;
	[tilespmem:$0x16300] =	vst v63  }
0x8d: {  	_ =	swait.ge [sflag:s4], $0x50  }
0x8e: {  	[sflag:s4] =	ssyncset.done $0x0  }
0x8f: {  	[sflag:s4] =	ssyncadd.s32 $0xFFFFFFB0  }
0x90: {  	[spmem:s5] =	stream.indirect.scatter.add.f32 [tilespmem:s28], [sflag:$0x5], $0x80, s0, s31, $0xb8;
	[tilespmem:$0x16300] =	vst v63  }
0x91: {  	_ =	swait.ge [sflag:s9], $0x2800  }
0x92: {  	[sflag:s9] =	ssyncset.done $0x0  }
0x93: {  	s14 =	rddreg [dreg:$0xd];
	[sflag:s9] =	ssyncadd.s32 $0xFFFFD800  }
0x94: {  	[tilespmem:s7], [sflag:$0x1] =	stream.linear.gather [hbm4b:s14+s7], $0x50, $0x38;
	[tilespmem:$0x16300] =	vst v63  }
0x95: {  	_ =	swait.ge [sflag:s11], $0x50  }
0x96: {  	[sflag:s11] =	ssyncset.done $0x0  }
0x97: {  	[sflag:s11] =	ssyncadd.s32 $0xFFFFFFB0  }
0x98: {  	[spmem:s5] =	stream.indirect.scatter.add.f32 [tilespmem:s28], [sflag:$0x5], $0x80, s3, s31, $0xb8;
	[tilespmem:$0x16300] =	vst v63  }
0x99: {  	_ =	swait.ge [sflag:s9], $0x2800  }
0x9a: {  	[sflag:s9] =	ssyncset.done $0x0  }
0x9b: {  	s17 =	rddreg [dreg:$0xe];
	[sflag:s9] =	ssyncadd.s32 $0xFFFFD800  }
0x9c: {  	[tilespmem:s29], [sflag:$0x2] =	stream.linear.gather [hbm4b:s17+s7], $0x50, $0x38;
	[tilespmem:$0x16300] =	vst v63  }
0x9d: {  	_ =	swait.ge [sflag:s30], $0x50  }
0x9e: {  	[sflag:s30] =	ssyncset.done $0x0  }
0x9f: {  	[sflag:s30] =	ssyncadd.s32 $0xFFFFFFB0  }
0xa0: {  	[spmem:s5] =	stream.indirect.scatter.add.f32 [tilespmem:s28], [sflag:$0x5], $0x80, s7, s31, $0xb8;
	[tilespmem:$0x16300] =	vst v63  }
0xa1: {  	_ =	swait.ge [sflag:s9], $0x2800  }
0xa2: {  	[sflag:s9] =	ssyncset.done $0x0  }
0xa3: {  	[sflag:s9] =	ssyncadd.s32 $0xFFFFD800  }
0xa4: {  	[tilespmem:s0], [sflag:$0x3] =	stream.linear.gather [hbm4b:s18+s7], $0x50, $0x38;
	[tilespmem:$0x16300] =	vst v63  }
0xa5: {  	_ =	swait.ge [sflag:s9], $0x2800  }
0xa6: {  	[sflag:s9] =	ssyncset.done $0x0  }
0xa7: {  	[sflag:s9] =	ssyncadd.s32 $0xFFFFD800  }
0xa8: {  	_ =	swait.ge [sflag:s9], $0x2800  }
0xa9: {  	[sflag:s9] =	ssyncset.done $0x0  }
0xaa: {  	[sflag:s9] =	ssyncadd.s32 $0xFFFFD800  }
0xab: {  	_ =	swait.ge [sflag:s2], $0x50  }
0xac: {  	[sflag:s2] =	ssyncset.done $0x0  }
0xad: {  	[sflag:s2] =	ssyncadd.s32 $0xFFFFFFB0  }
0xae: {  	_ =	swait.ge [sflag:s4], $0x50  }
0xaf: {  	[sflag:s4] =	ssyncset.done $0x0  }
0xb0: {  	[sflag:s4] =	ssyncadd.s32 $0xFFFFFFB0  }
0xb1: {  	s8 =	sor.u32 $0x1C05, s8;
	[bflag:$0x0] =	sbarrier.arrive $0xFFFF  }
0xb2: {  	[hbm:s19], [sflag:s8] =	dma.local [spmem:s13], $0x2700  }
0xb3: {  	_ =	swait.ge [sflag:s9], $0x2700  }
0xb4: {  	s6 =	sadd.s32 $0x1, s6;
	[sflag:s9] =	ssyncset.done $0x0  }
0xb5: {  	p3 =	sne.s32 s6, s21;
	s13 =	sshrl.u32 @!p2 s10, $0x3;
	[sflag:s9] =	ssyncadd.s32 $0xFFFFD900  }
0xb6: {  	[hbm:s20], [sflag:s8] =	dma.local @!p2 [spmem:s13], $0x100  }
.Ltmp5:
0xb7: {  	_ = 	snop;
	(pc) =	sbr.rel @p3 .LBB2_1-.Ltmp5, $4  }
0xb8: {  	s8 =	simm.s32 @!p2 $0x5  }
0xb9: {  	_ =	swait.ge @!p2 [sflag:s8], $0x100  }
0xba: {  	[sflag:s8] =	ssyncset.done @!p2 $0x0  }
0xbb: {  	[sflag:s8] =	ssyncadd.s32 @!p2 $0xFFFFFF00  }
0xbc: {  	_ =	sfence.sel $0x180000  }
0xbd: {  	[bflag:$0x0] =	sbarrier.arrive $0xFFFF  }
0xbe: {  	_ =	strace $0x90000047  }
0xbf: {  	s0 =	stileid.u32;
	[bflag:$0x2] =	sbarrier.arrive $0xFFFF  }
0xc0: {  	p0 =	sne.s32 s0, $0x0;
	s0 =	rddreg [dreg:$0x6]  }
0xc1: {  	s0 =	sadd.s32 @!p0 $0x100000, s0  }
0xc2: {  	[sflag:s0] =	ssyncadd.tile.s32 @!p0 $0x1;
	_ =	shalt  }
.Lfunc_end2:
_tile_overlayer_lowered:
.L_overlay_start_2:
0xc3: {  	(tag) =	ssettag $0x2  }
0xc4: {  	s0 =	rddreg [dreg:$0x0];
	s2 =	stileid.u32  }
0xc5: {  	s1 =	rddreg [dreg:$0x1];
	p0 =	sne.s32 s2, $0x0  }
0xc6: {  	s3 =	rddreg [dreg:$0x2];
	[bflag:$0x3] =	sbarrier.arrive $0xFFFF;
	s2 =	simm.s32 @!p0 $0x1C06  }
0xc7: {  	[timem:s3], [sflag:s2] =	dma.local @!p0 [hbm:s0], s1  }
0xc8: {  	s0 =	simm.s32 @!p0 $0x6  }
0xc9: {  	_ =	swait.ge @!p0 [sflag:s0], s1  }
0xca: {  	s1 =	ssub.s32 @!p0 $0x0, s1;
	[sflag:s0] =	ssyncset.done @!p0 $0x0  }
0xcb: {  	[sflag:s0] =	ssyncadd.s32 @!p0 s1  }
0xcc: {  	[bflag:$0x3] =	sbarrier.arrive $0xFFFF  }
0xcd: {  	_ =	shalt  }

</sc_bundles>
